<compile_context>
chip_gen: v7x
topology: tpu7x:2x2x1
jax: 0.10.2.dev20260603
libtpu: 0.0.44.dev20260713+nightly
codegen_flags: <defaults>
</compile_context>

<pallas_src>
import functools

import jax
import jax.numpy as jnp
from jax import lax
from jax.experimental import pallas as pl
from jax.experimental.pallas import tpu as pltpu
from jax.experimental.pallas import tpu_sc as plsc

_VOCAB2 = 1002
_NPOS = 24
_EMBED = 128
_NC, _NS = 2, 16
_NW = _NC * _NS
_BATCH = 1024
_HIST = 200
_N = _BATCH * _HIST
_BR_W = _BATCH // _NW
_NBUF = 4
_LOOK = 3
_NGRP = _BR_W // _NBUF
_SPLIT = 128
_REM = _HIST - _SPLIT


def _build_comb(W_word, W_pos):
    def body(w_ref, p_ref, comb_ref):
        comb_ref[...] = w_ref[...][:, None, :] + p_ref[...][None, :, :]

    comb = pl.pallas_call(
        body,
        grid=(2,),
        in_specs=[
            pl.BlockSpec((512, _EMBED), lambda i: (i, 0)),
            pl.BlockSpec((_NPOS, _EMBED), lambda i: (0, 0)),
        ],
        out_specs=pl.BlockSpec((512, _NPOS, _EMBED), lambda i: (i, 0, 0)),
        out_shape=jax.ShapeDtypeStruct((_VOCAB2, _NPOS, _EMBED), jnp.float32),
    )(W_word, W_pos)
    return comb.reshape(_VOCAB2 * _NPOS, _EMBED)


def _sc_lookup(cidxa, cidxb, wcomb):
    mesh = plsc.VectorSubcoreMesh(
        core_axis_name="c", subcore_axis_name="s",
        num_cores=_NC, num_subcores=_NS)

    @functools.partial(
        pl.kernel,
        out_type=jax.ShapeDtypeStruct((_N, _EMBED), jnp.float32),
        mesh=mesh,
        scratch_types=[
            pltpu.VMEM((_BR_W, _SPLIT), jnp.int32),
            pltpu.VMEM((_BR_W, _SPLIT), jnp.int32),
            [pltpu.VMEM((_HIST, _EMBED), jnp.float32) for _ in range(_NBUF)],
            [pltpu.SemaphoreType.DMA for _ in range(_NBUF)],
            [pltpu.SemaphoreType.DMA for _ in range(_NBUF)],
            [pltpu.SemaphoreType.DMA for _ in range(_NBUF)],
        ],
    )
    def k(cidxa_hbm, cidxb_hbm, comb_hbm, out_hbm, cidxa_v, cidxb_v,
          rows, gsemA, gsemB, ssem):
        c = lax.axis_index("c")
        s = lax.axis_index("s")
        wid = s * _NC + c
        rb = wid * _BR_W

        pltpu.sync_copy(cidxa_hbm.at[pl.ds(rb, _BR_W)], cidxa_v)
        pltpu.sync_copy(cidxb_hbm.at[pl.ds(rb, _BR_W)], cidxb_v)

        slA, slB = pl.ds(0, _SPLIT), pl.ds(_SPLIT, _REM)

        def start_gather(b, r):
            pltpu.async_copy(comb_hbm.at[cidxa_v.at[r]],
                             rows[b].at[slA], gsemA[b])
            pltpu.async_copy(comb_hbm.at[cidxb_v.at[r, pl.ds(0, _REM)]],
                             rows[b].at[slB], gsemB[b])

        def move(b, r):
            pltpu.make_async_copy(comb_hbm.at[cidxa_v.at[0]],
                                  rows[b].at[slA], gsemA[b]).wait()
            pltpu.async_copy(rows[b].at[slA],
                             out_hbm.at[pl.ds((rb + r) * _HIST, _SPLIT)],
                             ssem[b])
            pltpu.make_async_copy(comb_hbm.at[cidxb_v.at[0, pl.ds(0, _REM)]],
                                  rows[b].at[slB], gsemB[b]).wait()
            pltpu.async_copy(rows[b].at[slB],
                             out_hbm.at[pl.ds((rb + r) * _HIST + _SPLIT, _REM)],
                             ssem[b])

        def wait_scatter(b):
            pltpu.make_async_copy(rows[b].at[slA],
                                  out_hbm.at[pl.ds(0, _SPLIT)], ssem[b]).wait()
            pltpu.make_async_copy(rows[b].at[slB],
                                  out_hbm.at[pl.ds(0, _REM)], ssem[b]).wait()

        for b in range(_LOOK):
            start_gather(b, b)

        def group(g, carry):
            base = g * _NBUF
            for b in range(_NBUF):
                r = base + b
                bg = (b + _LOOK) % _NBUF

                @pl.when(r + _LOOK < _BR_W)
                def _():
                    @pl.when(r >= _NBUF - _LOOK)
                    def _():
                        wait_scatter(bg)
                    start_gather(bg, r + _LOOK)

                move(b, r)
            return carry
        lax.fori_loop(0, _NGRP, group, 0)

        for b in range(_NBUF):
            wait_scatter(b)

    return k(cidxa, cidxb, wcomb)


def kernel(tokens, pos, W_word, W_pos):
    wcomb = _build_comb(W_word, W_pos)
    cidx = tokens.astype(jnp.int32) * _NPOS + pos.astype(jnp.int32)
    cidxa = cidx[:, :_SPLIT]
    cidxb = jnp.pad(cidx[:, _SPLIT:], ((0, 0), (0, 2 * _SPLIT - _HIST)))
    out = _sc_lookup(cidxa, cidxb, wcomb)
    return out.reshape(_BATCH, _HIST, _EMBED)

# --- scband reference (transcript-rebuilt; emitter-appended) ---
"""Pipeline reference for scband-base-model-18227841204768 (READ-ONLY COPY).

The authoritative reference and input builder live on the scoring server;
editing this copy changes nothing except your own understanding.
"""

import jax, jax.numpy as jnp
import numpy as np

VOCAB = 1000
EMBED = 128
POS_SIZE = 24
BATCH = 1024
HIST = 200

def setup_inputs(seed: int = 0) -> dict:
    key = jax.random.key(seed)
    k1, k2, k3, k4 = jax.random.split(key, 4)
    tokens = jax.random.randint(k1, (BATCH, HIST), 0, VOCAB)
    pos = jax.random.randint(k2, (BATCH, HIST), 0, POS_SIZE)
    # nn.Embedding(vocab_size + 2, embed_size, padding_idx=0): row 0 zeroed
    W_word = jax.random.normal(k3, (VOCAB + 2, EMBED), dtype=jnp.float32) * 0.02
    W_word = W_word.at[0].set(0.0)
    W_pos = jax.random.normal(k4, (POS_SIZE, EMBED), dtype=jnp.float32) * 0.02
    W_pos = W_pos.at[0].set(0.0)
    return {"tokens": tokens, "pos": pos, "W_word": W_word, "W_pos": W_pos}

def reference(tokens, pos, W_word, W_pos):
    # embed_word(tokens) + embed_pos(pos); embed_drop is identity at eval time
    we = jnp.take(W_word, tokens, axis=0)
    pe = jnp.take(W_pos, pos, axis=0)
    return we + pe

if __name__ == "__main__":
    import jax
    _d = setup_inputs()
    print(jax.jit(kernel)(*tuple(_d.values())))

</pallas_src>

<mosaic_0001>
#map = affine_map<(d0, d1) -> (0, 0)>
module attributes {stable_mosaic.version = 14 : i64} {
  func.func @k(%arg0: i32, %arg1: i32, %arg2: memref<1024x128xi32, #tpu.memory_space<hbm>>, %arg3: memref<1024x128xi32, #tpu.memory_space<hbm>>, %arg4: memref<24048x128xf32, #tpu.memory_space<hbm>>, %arg5: memref<204800x128xf32, #tpu.memory_space<hbm>>, %arg6: memref<32x128xi32, #tpu.memory_space<vmem>>, %arg7: memref<32x128xi32, #tpu.memory_space<vmem>>, %arg8: memref<200x128xf32, #tpu.memory_space<vmem>>, %arg9: memref<200x128xf32, #tpu.memory_space<vmem>>, %arg10: memref<200x128xf32, #tpu.memory_space<vmem>>, %arg11: memref<200x128xf32, #tpu.memory_space<vmem>>, %arg12: memref<!tpu.dma_semaphore, #tpu.memory_space<semaphore_mem>>, %arg13: memref<!tpu.dma_semaphore, #tpu.memory_space<semaphore_mem>>, %arg14: memref<!tpu.dma_semaphore, #tpu.memory_space<semaphore_mem>>, %arg15: memref<!tpu.dma_semaphore, #tpu.memory_space<semaphore_mem>>, %arg16: memref<!tpu.dma_semaphore, #tpu.memory_space<semaphore_mem>>, %arg17: memref<!tpu.dma_semaphore, #tpu.memory_space<semaphore_mem>>, %arg18: memref<!tpu.dma_semaphore, #tpu.memory_space<semaphore_mem>>, %arg19: memref<!tpu.dma_semaphore, #tpu.memory_space<semaphore_mem>>, %arg20: memref<!tpu.dma_semaphore, #tpu.memory_space<semaphore_mem>>, %arg21: memref<!tpu.dma_semaphore, #tpu.memory_space<semaphore_mem>>, %arg22: memref<!tpu.dma_semaphore, #tpu.memory_space<semaphore_mem>>, %arg23: memref<!tpu.dma_semaphore, #tpu.memory_space<semaphore_mem>>) attributes {dimension_semantics = [#tpu.dimension_semantics<core_parallel>, #tpu.dimension_semantics<subcore_parallel>], iteration_bounds = array<i64: 2, 16>, scalar_prefetch = 0 : i64, scratch_operands = 18 : i64, tpu.core_type = #tpu.core_type<sc_vector_subcore>, window_params = [{transform_indices = #map}, {transform_indices = #map}, {transform_indices = #map}, {transform_indices = #map}]} {
    %mul3A = arith.constant 2 : i32
    %mul3A_0 = arith.muli %arg1, %mul3A : i32
    %add3A = arith.addi %mul3A_0, %arg0 : i32
    %mul3A_1 = arith.constant 32 : i32
    %mul3A_2 = arith.muli %add3A, %mul3A_1 : i32
    "tpu.region"() ({
      %run_scoped3A = tpu.sem_alloc : memref<!tpu.dma_semaphore, #tpu.memory_space<semaphore_mem>>
      %dma_start3A_162 = arith.constant 0 : i32
      %dma_start3A_163 = tpu.memref_slice %arg2[%mul3A_2, %dma_start3A_162] : memref<1024x128xi32, #tpu.memory_space<hbm>> -> memref<32x128xi32, #tpu.memory_space<hbm>>
      %dma_start3A_164 = arith.constant 0 : i32
      %dma_start3A_165 = tpu.memref_slice %arg2[%mul3A_2, %dma_start3A_164] : memref<1024x128xi32, #tpu.memory_space<hbm>> -> memref<32x128xi32, #tpu.memory_space<hbm>>
      tpu.enqueue_dma source(%dma_start3A_165 : memref<32x128xi32, #tpu.memory_space<hbm>>) target(%arg6 : memref<32x128xi32, #tpu.memory_space<vmem>>) target_semaphore(%run_scoped3A : memref<!tpu.dma_semaphore, #tpu.memory_space<semaphore_mem>>)
      %dma_wait3A_166 = arith.constant 0 : i32
      %dma_wait3A_167 = tpu.memref_slice %arg2[%mul3A_2, %dma_wait3A_166] : memref<1024x128xi32, #tpu.memory_space<hbm>> -> memref<32x128xi32, #tpu.memory_space<hbm>>
      %dma_wait3A_168 = arith.constant 0 : i32
      %dma_wait3A_169 = tpu.memref_slice %arg2[%mul3A_2, %dma_wait3A_168] : memref<1024x128xi32, #tpu.memory_space<hbm>> -> memref<32x128xi32, #tpu.memory_space<hbm>>
      tpu.wait_dma2 semaphore(%run_scoped3A : memref<!tpu.dma_semaphore, #tpu.memory_space<semaphore_mem>>) src(%dma_wait3A_169 : memref<32x128xi32, #tpu.memory_space<hbm>>) dst(%arg6 : memref<32x128xi32, #tpu.memory_space<vmem>>)
      tpu.yield
    }) : () -> ()
    "tpu.region"() ({
      %run_scoped3A = tpu.sem_alloc : memref<!tpu.dma_semaphore, #tpu.memory_space<semaphore_mem>>
      %dma_start3A_162 = arith.constant 0 : i32
      %dma_start3A_163 = tpu.memref_slice %arg3[%mul3A_2, %dma_start3A_162] : memref<1024x128xi32, #tpu.memory_space<hbm>> -> memref<32x128xi32, #tpu.memory_space<hbm>>
      %dma_start3A_164 = arith.constant 0 : i32
      %dma_start3A_165 = tpu.memref_slice %arg3[%mul3A_2, %dma_start3A_164] : memref<1024x128xi32, #tpu.memory_space<hbm>> -> memref<32x128xi32, #tpu.memory_space<hbm>>
      tpu.enqueue_dma source(%dma_start3A_165 : memref<32x128xi32, #tpu.memory_space<hbm>>) target(%arg7 : memref<32x128xi32, #tpu.memory_space<vmem>>) target_semaphore(%run_scoped3A : memref<!tpu.dma_semaphore, #tpu.memory_space<semaphore_mem>>)
      %dma_wait3A_166 = arith.constant 0 : i32
      %dma_wait3A_167 = tpu.memref_slice %arg3[%mul3A_2, %dma_wait3A_166] : memref<1024x128xi32, #tpu.memory_space<hbm>> -> memref<32x128xi32, #tpu.memory_space<hbm>>
      %dma_wait3A_168 = arith.constant 0 : i32
      %dma_wait3A_169 = tpu.memref_slice %arg3[%mul3A_2, %dma_wait3A_168] : memref<1024x128xi32, #tpu.memory_space<hbm>> -> memref<32x128xi32, #tpu.memory_space<hbm>>
      tpu.wait_dma2 semaphore(%run_scoped3A : memref<!tpu.dma_semaphore, #tpu.memory_space<semaphore_mem>>) src(%dma_wait3A_169 : memref<32x128xi32, #tpu.memory_space<hbm>>) dst(%arg7 : memref<32x128xi32, #tpu.memory_space<vmem>>)
      tpu.yield
    }) : () -> ()
    %dma_start3A = arith.constant 0 : i32
    %dma_start3A_3 = arith.constant 0 : i32
    %dma_start3A_4 = arith.constant 0 : i32
    %dma_start3A_5 = tpu.memref_slice %arg8[%dma_start3A_3, %dma_start3A_4] : memref<200x128xf32, #tpu.memory_space<vmem>> -> memref<128x128xf32, #tpu.memory_space<vmem>>
    %dma_start3A_6 = arith.constant 0 : i32
    %dma_start3A_7 = tpu.memref_slice %arg6[%dma_start3A, %dma_start3A_6] : memref<32x128xi32, #tpu.memory_space<vmem>> -> memref<1x128xi32, #tpu.memory_space<vmem>>
    %dma_start3A_8 = tpu.memref_squeeze %dma_start3A_7 : memref<1x128xi32, #tpu.memory_space<vmem>> -> memref<128xi32, #tpu.memory_space<vmem>>
    %dma_start3A_9 = arith.constant 0 : i32
    %dma_start3A_10 = arith.constant 0 : i32
    %dma_start3A_11 = tpu.memref_slice %arg4[%dma_start3A_9, %dma_start3A_10] : memref<24048x128xf32, #tpu.memory_space<hbm>> -> memref<24048x128xf32, #tpu.memory_space<hbm>>
    tpu.enqueue_indirect_dma source(%dma_start3A_11 : memref<24048x128xf32, #tpu.memory_space<hbm>>) target(%dma_start3A_5 : memref<128x128xf32, #tpu.memory_space<vmem>>) offsets(%dma_start3A_8 : memref<128xi32, #tpu.memory_space<vmem>>) semaphore(%arg12 : memref<!tpu.dma_semaphore, #tpu.memory_space<semaphore_mem>>)
    %dma_start3A_12 = arith.constant 0 : i32
    %dma_start3A_13 = arith.constant 128 : i32
    %dma_start3A_14 = arith.constant 0 : i32
    %dma_start3A_15 = tpu.memref_slice %arg8[%dma_start3A_13, %dma_start3A_14] : memref<200x128xf32, #tpu.memory_space<vmem>> -> memref<72x128xf32, #tpu.memory_space<vmem>>
    %dma_start3A_16 = arith.constant 0 : i32
    %dma_start3A_17 = tpu.memref_slice %arg7[%dma_start3A_12, %dma_start3A_16] : memref<32x128xi32, #tpu.memory_space<vmem>> -> memref<1x72xi32, #tpu.memory_space<vmem>>
    %dma_start3A_18 = tpu.memref_squeeze %dma_start3A_17 : memref<1x72xi32, #tpu.memory_space<vmem>> -> memref<72xi32, #tpu.memory_space<vmem>>
    %dma_start3A_19 = arith.constant 0 : i32
    %dma_start3A_20 = arith.constant 0 : i32
    %dma_start3A_21 = tpu.memref_slice %arg4[%dma_start3A_19, %dma_start3A_20] : memref<24048x128xf32, #tpu.memory_space<hbm>> -> memref<24048x128xf32, #tpu.memory_space<hbm>>
    tpu.enqueue_indirect_dma source(%dma_start3A_21 : memref<24048x128xf32, #tpu.memory_space<hbm>>) target(%dma_start3A_15 : memref<72x128xf32, #tpu.memory_space<vmem>>) offsets(%dma_start3A_18 : memref<72xi32, #tpu.memory_space<vmem>>) semaphore(%arg16 : memref<!tpu.dma_semaphore, #tpu.memory_space<semaphore_mem>>)
    %dma_start3A_22 = arith.constant 1 : i32
    %dma_start3A_23 = arith.constant 0 : i32
    %dma_start3A_24 = arith.constant 0 : i32
    %dma_start3A_25 = tpu.memref_slice %arg9[%dma_start3A_23, %dma_start3A_24] : memref<200x128xf32, #tpu.memory_space<vmem>> -> memref<128x128xf32, #tpu.memory_space<vmem>>
    %dma_start3A_26 = arith.constant 0 : i32
    %dma_start3A_27 = tpu.memref_slice %arg6[%dma_start3A_22, %dma_start3A_26] : memref<32x128xi32, #tpu.memory_space<vmem>> -> memref<1x128xi32, #tpu.memory_space<vmem>>
    %dma_start3A_28 = tpu.memref_squeeze %dma_start3A_27 : memref<1x128xi32, #tpu.memory_space<vmem>> -> memref<128xi32, #tpu.memory_space<vmem>>
    %dma_start3A_29 = arith.constant 0 : i32
    %dma_start3A_30 = arith.constant 0 : i32
    %dma_start3A_31 = tpu.memref_slice %arg4[%dma_start3A_29, %dma_start3A_30] : memref<24048x128xf32, #tpu.memory_space<hbm>> -> memref<24048x128xf32, #tpu.memory_space<hbm>>
    tpu.enqueue_indirect_dma source(%dma_start3A_31 : memref<24048x128xf32, #tpu.memory_space<hbm>>) target(%dma_start3A_25 : memref<128x128xf32, #tpu.memory_space<vmem>>) offsets(%dma_start3A_28 : memref<128xi32, #tpu.memory_space<vmem>>) semaphore(%arg13 : memref<!tpu.dma_semaphore, #tpu.memory_space<semaphore_mem>>)
    %dma_start3A_32 = arith.constant 1 : i32
    %dma_start3A_33 = arith.constant 128 : i32
    %dma_start3A_34 = arith.constant 0 : i32
    %dma_start3A_35 = tpu.memref_slice %arg9[%dma_start3A_33, %dma_start3A_34] : memref<200x128xf32, #tpu.memory_space<vmem>> -> memref<72x128xf32, #tpu.memory_space<vmem>>
    %dma_start3A_36 = arith.constant 0 : i32
    %dma_start3A_37 = tpu.memref_slice %arg7[%dma_start3A_32, %dma_start3A_36] : memref<32x128xi32, #tpu.memory_space<vmem>> -> memref<1x72xi32, #tpu.memory_space<vmem>>
    %dma_start3A_38 = tpu.memref_squeeze %dma_start3A_37 : memref<1x72xi32, #tpu.memory_space<vmem>> -> memref<72xi32, #tpu.memory_space<vmem>>
    %dma_start3A_39 = arith.constant 0 : i32
    %dma_start3A_40 = arith.constant 0 : i32
    %dma_start3A_41 = tpu.memref_slice %arg4[%dma_start3A_39, %dma_start3A_40] : memref<24048x128xf32, #tpu.memory_space<hbm>> -> memref<24048x128xf32, #tpu.memory_space<hbm>>
    tpu.enqueue_indirect_dma source(%dma_start3A_41 : memref<24048x128xf32, #tpu.memory_space<hbm>>) target(%dma_start3A_35 : memref<72x128xf32, #tpu.memory_space<vmem>>) offsets(%dma_start3A_38 : memref<72xi32, #tpu.memory_space<vmem>>) semaphore(%arg17 : memref<!tpu.dma_semaphore, #tpu.memory_space<semaphore_mem>>)
    %dma_start3A_42 = arith.constant 2 : i32
    %dma_start3A_43 = arith.constant 0 : i32
    %dma_start3A_44 = arith.constant 0 : i32
    %dma_start3A_45 = tpu.memref_slice %arg10[%dma_start3A_43, %dma_start3A_44] : memref<200x128xf32, #tpu.memory_space<vmem>> -> memref<128x128xf32, #tpu.memory_space<vmem>>
    %dma_start3A_46 = arith.constant 0 : i32
    %dma_start3A_47 = tpu.memref_slice %arg6[%dma_start3A_42, %dma_start3A_46] : memref<32x128xi32, #tpu.memory_space<vmem>> -> memref<1x128xi32, #tpu.memory_space<vmem>>
    %dma_start3A_48 = tpu.memref_squeeze %dma_start3A_47 : memref<1x128xi32, #tpu.memory_space<vmem>> -> memref<128xi32, #tpu.memory_space<vmem>>
    %dma_start3A_49 = arith.constant 0 : i32
    %dma_start3A_50 = arith.constant 0 : i32
    %dma_start3A_51 = tpu.memref_slice %arg4[%dma_start3A_49, %dma_start3A_50] : memref<24048x128xf32, #tpu.memory_space<hbm>> -> memref<24048x128xf32, #tpu.memory_space<hbm>>
    tpu.enqueue_indirect_dma source(%dma_start3A_51 : memref<24048x128xf32, #tpu.memory_space<hbm>>) target(%dma_start3A_45 : memref<128x128xf32, #tpu.memory_space<vmem>>) offsets(%dma_start3A_48 : memref<128xi32, #tpu.memory_space<vmem>>) semaphore(%arg14 : memref<!tpu.dma_semaphore, #tpu.memory_space<semaphore_mem>>)
    %dma_start3A_52 = arith.constant 2 : i32
    %dma_start3A_53 = arith.constant 128 : i32
    %dma_start3A_54 = arith.constant 0 : i32
    %dma_start3A_55 = tpu.memref_slice %arg10[%dma_start3A_53, %dma_start3A_54] : memref<200x128xf32, #tpu.memory_space<vmem>> -> memref<72x128xf32, #tpu.memory_space<vmem>>
    %dma_start3A_56 = arith.constant 0 : i32
    %dma_start3A_57 = tpu.memref_slice %arg7[%dma_start3A_52, %dma_start3A_56] : memref<32x128xi32, #tpu.memory_space<vmem>> -> memref<1x72xi32, #tpu.memory_space<vmem>>
    %dma_start3A_58 = tpu.memref_squeeze %dma_start3A_57 : memref<1x72xi32, #tpu.memory_space<vmem>> -> memref<72xi32, #tpu.memory_space<vmem>>
    %dma_start3A_59 = arith.constant 0 : i32
    %dma_start3A_60 = arith.constant 0 : i32
    %dma_start3A_61 = tpu.memref_slice %arg4[%dma_start3A_59, %dma_start3A_60] : memref<24048x128xf32, #tpu.memory_space<hbm>> -> memref<24048x128xf32, #tpu.memory_space<hbm>>
    tpu.enqueue_indirect_dma source(%dma_start3A_61 : memref<24048x128xf32, #tpu.memory_space<hbm>>) target(%dma_start3A_55 : memref<72x128xf32, #tpu.memory_space<vmem>>) offsets(%dma_start3A_58 : memref<72xi32, #tpu.memory_space<vmem>>) semaphore(%arg18 : memref<!tpu.dma_semaphore, #tpu.memory_space<semaphore_mem>>)
    %scan3A = arith.constant 0 : i32
    %scan3A_62 = arith.constant 0 : i32
    %scan3A_63 = arith.constant 8 : i32
    %scan3A_64 = arith.addi %scan3A_62, %scan3A_63 : i32
    %scan3A_65 = arith.constant 1 : i32
    scf.for %scan3A_162 = %scan3A_62 to %scan3A_64 step %scan3A_65  : i32 {
      %mul3A_163 = arith.constant 4 : i32
      %mul3A_164 = arith.muli %scan3A_162, %mul3A_163 : i32
      %add3A_165 = arith.constant 0 : i32
      %add3A_166 = arith.addi %mul3A_164, %add3A_165 : i32
      %add3A_167 = arith.constant 3 : i32
      %add3A_168 = arith.addi %add3A_166, %add3A_167 : i32
      %lt3A = arith.constant 32 : i32
      %lt3A_169 = arith.cmpi slt, %add3A_168, %lt3A : i32
      %convert_element_type3A = arith.extui %lt3A_169 : i1 to i32
      %cond3A = arith.constant 0 : i32
      %cond3A_170 = arith.cmpi ne, %convert_element_type3A, %cond3A : i32
      scf.if %cond3A_170 {
        %ge3A = arith.constant 1 : i32
        %ge3A_390 = arith.cmpi sge, %add3A_166, %ge3A : i32
        %convert_element_type3A_391 = arith.extui %ge3A_390 : i1 to i32
        %cond3A_392 = arith.constant 0 : i32
        %cond3A_393 = arith.cmpi ne, %convert_element_type3A_391, %cond3A_392 : i32
        scf.if %cond3A_393 {
          %dma_wait3A_414 = arith.constant 0 : i32
          %dma_wait3A_415 = arith.constant 0 : i32
          %dma_wait3A_416 = tpu.memref_slice %arg11[%dma_wait3A_414, %dma_wait3A_415] : memref<200x128xf32, #tpu.memory_space<vmem>> -> memref<128x128xf32, #tpu.memory_space<vmem>>
          %dma_wait3A_417 = arith.constant 0 : i32
          %dma_wait3A_418 = arith.constant 0 : i32
          %dma_wait3A_419 = tpu.memref_slice %arg5[%dma_wait3A_417, %dma_wait3A_418] : memref<204800x128xf32, #tpu.memory_space<hbm>> -> memref<128x128xf32, #tpu.memory_space<hbm>>
          %dma_wait3A_420 = arith.constant 0 : i32
          %dma_wait3A_421 = arith.constant 0 : i32
          %dma_wait3A_422 = tpu.memref_slice %arg5[%dma_wait3A_420, %dma_wait3A_421] : memref<204800x128xf32, #tpu.memory_space<hbm>> -> memref<128x128xf32, #tpu.memory_space<hbm>>
          %dma_wait3A_423 = arith.constant 0 : i32
          %dma_wait3A_424 = arith.constant 0 : i32
          %dma_wait3A_425 = tpu.memref_slice %arg11[%dma_wait3A_423, %dma_wait3A_424] : memref<200x128xf32, #tpu.memory_space<vmem>> -> memref<128x128xf32, #tpu.memory_space<vmem>>
          tpu.wait_dma2 semaphore(%arg23 : memref<!tpu.dma_semaphore, #tpu.memory_space<semaphore_mem>>) src(%dma_wait3A_425 : memref<128x128xf32, #tpu.memory_space<vmem>>) dst(%dma_wait3A_422 : memref<128x128xf32, #tpu.memory_space<hbm>>)
          %dma_wait3A_426 = arith.constant 128 : i32
          %dma_wait3A_427 = arith.constant 0 : i32
          %dma_wait3A_428 = tpu.memref_slice %arg11[%dma_wait3A_426, %dma_wait3A_427] : memref<200x128xf32, #tpu.memory_space<vmem>> -> memref<72x128xf32, #tpu.memory_space<vmem>>
          %dma_wait3A_429 = arith.constant 0 : i32
          %dma_wait3A_430 = arith.constant 0 : i32
          %dma_wait3A_431 = tpu.memref_slice %arg5[%dma_wait3A_429, %dma_wait3A_430] : memref<204800x128xf32, #tpu.memory_space<hbm>> -> memref<72x128xf32, #tpu.memory_space<hbm>>
          %dma_wait3A_432 = arith.constant 0 : i32
          %dma_wait3A_433 = arith.constant 0 : i32
          %dma_wait3A_434 = tpu.memref_slice %arg5[%dma_wait3A_432, %dma_wait3A_433] : memref<204800x128xf32, #tpu.memory_space<hbm>> -> memref<72x128xf32, #tpu.memory_space<hbm>>
          %dma_wait3A_435 = arith.constant 128 : i32
          %dma_wait3A_436 = arith.constant 0 : i32
          %dma_wait3A_437 = tpu.memref_slice %arg11[%dma_wait3A_435, %dma_wait3A_436] : memref<200x128xf32, #tpu.memory_space<vmem>> -> memref<72x128xf32, #tpu.memory_space<vmem>>
          tpu.wait_dma2 semaphore(%arg23 : memref<!tpu.dma_semaphore, #tpu.memory_space<semaphore_mem>>) src(%dma_wait3A_437 : memref<72x128xf32, #tpu.memory_space<vmem>>) dst(%dma_wait3A_434 : memref<72x128xf32, #tpu.memory_space<hbm>>)
        } else {
        }
        %add3A_394 = arith.constant 3 : i32
        %add3A_395 = arith.addi %add3A_166, %add3A_394 : i32
        %dma_start3A_396 = arith.constant 0 : i32
        %dma_start3A_397 = arith.constant 0 : i32
        %dma_start3A_398 = tpu.memref_slice %arg11[%dma_start3A_396, %dma_start3A_397] : memref<200x128xf32, #tpu.memory_space<vmem>> -> memref<128x128xf32, #tpu.memory_space<vmem>>
        %dma_start3A_399 = arith.constant 0 : i32
        %dma_start3A_400 = tpu.memref_slice %arg6[%add3A_395, %dma_start3A_399] : memref<32x128xi32, #tpu.memory_space<vmem>> -> memref<1x128xi32, #tpu.memory_space<vmem>>
        %dma_start3A_401 = tpu.memref_squeeze %dma_start3A_400 : memref<1x128xi32, #tpu.memory_space<vmem>> -> memref<128xi32, #tpu.memory_space<vmem>>
        %dma_start3A_402 = arith.constant 0 : i32
        %dma_start3A_403 = arith.constant 0 : i32
        %dma_start3A_404 = tpu.memref_slice %arg4[%dma_start3A_402, %dma_start3A_403] : memref<24048x128xf32, #tpu.memory_space<hbm>> -> memref<24048x128xf32, #tpu.memory_space<hbm>>
        tpu.enqueue_indirect_dma source(%dma_start3A_404 : memref<24048x128xf32, #tpu.memory_space<hbm>>) target(%dma_start3A_398 : memref<128x128xf32, #tpu.memory_space<vmem>>) offsets(%dma_start3A_401 : memref<128xi32, #tpu.memory_space<vmem>>) semaphore(%arg15 : memref<!tpu.dma_semaphore, #tpu.memory_space<semaphore_mem>>)
        %dma_start3A_405 = arith.constant 128 : i32
        %dma_start3A_406 = arith.constant 0 : i32
        %dma_start3A_407 = tpu.memref_slice %arg11[%dma_start3A_405, %dma_start3A_406] : memref<200x128xf32, #tpu.memory_space<vmem>> -> memref<72x128xf32, #tpu.memory_space<vmem>>
        %dma_start3A_408 = arith.constant 0 : i32
        %dma_start3A_409 = tpu.memref_slice %arg7[%add3A_395, %dma_start3A_408] : memref<32x128xi32, #tpu.memory_space<vmem>> -> memref<1x72xi32, #tpu.memory_space<vmem>>
        %dma_start3A_410 = tpu.memref_squeeze %dma_start3A_409 : memref<1x72xi32, #tpu.memory_space<vmem>> -> memref<72xi32, #tpu.memory_space<vmem>>
        %dma_start3A_411 = arith.constant 0 : i32
        %dma_start3A_412 = arith.constant 0 : i32
        %dma_start3A_413 = tpu.memref_slice %arg4[%dma_start3A_411, %dma_start3A_412] : memref<24048x128xf32, #tpu.memory_space<hbm>> -> memref<24048x128xf32, #tpu.memory_space<hbm>>
        tpu.enqueue_indirect_dma source(%dma_start3A_413 : memref<24048x128xf32, #tpu.memory_space<hbm>>) target(%dma_start3A_407 : memref<72x128xf32, #tpu.memory_space<vmem>>) offsets(%dma_start3A_410 : memref<72xi32, #tpu.memory_space<vmem>>) semaphore(%arg19 : memref<!tpu.dma_semaphore, #tpu.memory_space<semaphore_mem>>)
      } else {
      }
      %dma_wait3A_171 = arith.constant 0 : i32
      %dma_wait3A_172 = arith.constant 0 : i32
      %dma_wait3A_173 = arith.constant 0 : i32
      %dma_wait3A_174 = tpu.memref_slice %arg8[%dma_wait3A_172, %dma_wait3A_173] : memref<200x128xf32, #tpu.memory_space<vmem>> -> memref<128x128xf32, #tpu.memory_space<vmem>>
      %dma_wait3A_175 = arith.constant 0 : i32
      %dma_wait3A_176 = tpu.memref_slice %arg6[%dma_wait3A_171, %dma_wait3A_175] : memref<32x128xi32, #tpu.memory_space<vmem>> -> memref<1x128xi32, #tpu.memory_space<vmem>>
      %dma_wait3A_177 = tpu.memref_squeeze %dma_wait3A_176 : memref<1x128xi32, #tpu.memory_space<vmem>> -> memref<128xi32, #tpu.memory_space<vmem>>
      %dma_wait3A_178 = arith.constant 0 : i32
      %dma_wait3A_179 = arith.constant 0 : i32
      %dma_wait3A_180 = tpu.memref_slice %arg4[%dma_wait3A_178, %dma_wait3A_179] : memref<24048x128xf32, #tpu.memory_space<hbm>> -> memref<24048x128xf32, #tpu.memory_space<hbm>>
      tpu.wait_indirect_dma semaphore(%arg12 : memref<!tpu.dma_semaphore, #tpu.memory_space<semaphore_mem>>) src(%dma_wait3A_180 : memref<24048x128xf32, #tpu.memory_space<hbm>>) dst(%dma_wait3A_174 : memref<128x128xf32, #tpu.memory_space<vmem>>)
      %add3A_181 = arith.addi %mul3A_2, %add3A_166 : i32
      %mul3A_182 = arith.constant 200 : i32
      %mul3A_183 = arith.muli %add3A_181, %mul3A_182 : i32
      %dma_start3A_184 = arith.constant 0 : i32
      %dma_start3A_185 = arith.constant 0 : i32
      %dma_start3A_186 = tpu.memref_slice %arg8[%dma_start3A_184, %dma_start3A_185] : memref<200x128xf32, #tpu.memory_space<vmem>> -> memref<128x128xf32, #tpu.memory_space<vmem>>
      %dma_start3A_187 = arith.constant 0 : i32
      %dma_start3A_188 = tpu.memref_slice %arg5[%mul3A_183, %dma_start3A_187] : memref<204800x128xf32, #tpu.memory_space<hbm>> -> memref<128x128xf32, #tpu.memory_space<hbm>>
      %dma_start3A_189 = arith.constant 0 : i32
      %dma_start3A_190 = tpu.memref_slice %arg5[%mul3A_183, %dma_start3A_189] : memref<204800x128xf32, #tpu.memory_space<hbm>> -> memref<128x128xf32, #tpu.memory_space<hbm>>
      %dma_start3A_191 = arith.constant 0 : i32
      %dma_start3A_192 = arith.constant 0 : i32
      %dma_start3A_193 = tpu.memref_slice %arg8[%dma_start3A_191, %dma_start3A_192] : memref<200x128xf32, #tpu.memory_space<vmem>> -> memref<128x128xf32, #tpu.memory_space<vmem>>
      tpu.enqueue_dma source(%dma_start3A_193 : memref<128x128xf32, #tpu.memory_space<vmem>>) target(%dma_start3A_190 : memref<128x128xf32, #tpu.memory_space<hbm>>) target_semaphore(%arg20 : memref<!tpu.dma_semaphore, #tpu.memory_space<semaphore_mem>>)
      %dma_wait3A_194 = arith.constant 0 : i32
      %dma_wait3A_195 = arith.constant 128 : i32
      %dma_wait3A_196 = arith.constant 0 : i32
      %dma_wait3A_197 = tpu.memref_slice %arg8[%dma_wait3A_195, %dma_wait3A_196] : memref<200x128xf32, #tpu.memory_space<vmem>> -> memref<72x128xf32, #tpu.memory_space<vmem>>
      %dma_wait3A_198 = arith.constant 0 : i32
      %dma_wait3A_199 = tpu.memref_slice %arg7[%dma_wait3A_194, %dma_wait3A_198] : memref<32x128xi32, #tpu.memory_space<vmem>> -> memref<1x72xi32, #tpu.memory_space<vmem>>
      %dma_wait3A_200 = tpu.memref_squeeze %dma_wait3A_199 : memref<1x72xi32, #tpu.memory_space<vmem>> -> memref<72xi32, #tpu.memory_space<vmem>>
      %dma_wait3A_201 = arith.constant 0 : i32
      %dma_wait3A_202 = arith.constant 0 : i32
      %dma_wait3A_203 = tpu.memref_slice %arg4[%dma_wait3A_201, %dma_wait3A_202] : memref<24048x128xf32, #tpu.memory_space<hbm>> -> memref<24048x128xf32, #tpu.memory_space<hbm>>
      tpu.wait_indirect_dma semaphore(%arg16 : memref<!tpu.dma_semaphore, #tpu.memory_space<semaphore_mem>>) src(%dma_wait3A_203 : memref<24048x128xf32, #tpu.memory_space<hbm>>) dst(%dma_wait3A_197 : memref<72x128xf32, #tpu.memory_space<vmem>>)
      %add3A_204 = arith.addi %mul3A_2, %add3A_166 : i32
      %mul3A_205 = arith.constant 200 : i32
      %mul3A_206 = arith.muli %add3A_204, %mul3A_205 : i32
      %add3A_207 = arith.constant 128 : i32
      %add3A_208 = arith.addi %mul3A_206, %add3A_207 : i32
      %dma_start3A_209 = arith.constant 128 : i32
      %dma_start3A_210 = arith.constant 0 : i32
      %dma_start3A_211 = tpu.memref_slice %arg8[%dma_start3A_209, %dma_start3A_210] : memref<200x128xf32, #tpu.memory_space<vmem>> -> memref<72x128xf32, #tpu.memory_space<vmem>>
      %dma_start3A_212 = arith.constant 0 : i32
      %dma_start3A_213 = tpu.memref_slice %arg5[%add3A_208, %dma_start3A_212] : memref<204800x128xf32, #tpu.memory_space<hbm>> -> memref<72x128xf32, #tpu.memory_space<hbm>>
      %dma_start3A_214 = arith.constant 0 : i32
      %dma_start3A_215 = tpu.memref_slice %arg5[%add3A_208, %dma_start3A_214] : memref<204800x128xf32, #tpu.memory_space<hbm>> -> memref<72x128xf32, #tpu.memory_space<hbm>>
      %dma_start3A_216 = arith.constant 128 : i32
      %dma_start3A_217 = arith.constant 0 : i32
      %dma_start3A_218 = tpu.memref_slice %arg8[%dma_start3A_216, %dma_start3A_217] : memref<200x128xf32, #tpu.memory_space<vmem>> -> memref<72x128xf32, #tpu.memory_space<vmem>>
      tpu.enqueue_dma source(%dma_start3A_218 : memref<72x128xf32, #tpu.memory_space<vmem>>) target(%dma_start3A_215 : memref<72x128xf32, #tpu.memory_space<hbm>>) target_semaphore(%arg20 : memref<!tpu.dma_semaphore, #tpu.memory_space<semaphore_mem>>)
      %add3A_219 = arith.constant 1 : i32
      %add3A_220 = arith.addi %mul3A_164, %add3A_219 : i32
      %add3A_221 = arith.constant 3 : i32
      %add3A_222 = arith.addi %add3A_220, %add3A_221 : i32
      %lt3A_223 = arith.constant 32 : i32
      %lt3A_224 = arith.cmpi slt, %add3A_222, %lt3A_223 : i32
      %convert_element_type3A_225 = arith.extui %lt3A_224 : i1 to i32
      %cond3A_226 = arith.constant 0 : i32
      %cond3A_227 = arith.cmpi ne, %convert_element_type3A_225, %cond3A_226 : i32
      scf.if %cond3A_227 {
        %ge3A = arith.constant 1 : i32
        %ge3A_390 = arith.cmpi sge, %add3A_220, %ge3A : i32
        %convert_element_type3A_391 = arith.extui %ge3A_390 : i1 to i32
        %cond3A_392 = arith.constant 0 : i32
        %cond3A_393 = arith.cmpi ne, %convert_element_type3A_391, %cond3A_392 : i32
        scf.if %cond3A_393 {
          %dma_wait3A_414 = arith.constant 0 : i32
          %dma_wait3A_415 = arith.constant 0 : i32
          %dma_wait3A_416 = tpu.memref_slice %arg8[%dma_wait3A_414, %dma_wait3A_415] : memref<200x128xf32, #tpu.memory_space<vmem>> -> memref<128x128xf32, #tpu.memory_space<vmem>>
          %dma_wait3A_417 = arith.constant 0 : i32
          %dma_wait3A_418 = arith.constant 0 : i32
          %dma_wait3A_419 = tpu.memref_slice %arg5[%dma_wait3A_417, %dma_wait3A_418] : memref<204800x128xf32, #tpu.memory_space<hbm>> -> memref<128x128xf32, #tpu.memory_space<hbm>>
          %dma_wait3A_420 = arith.constant 0 : i32
          %dma_wait3A_421 = arith.constant 0 : i32
          %dma_wait3A_422 = tpu.memref_slice %arg5[%dma_wait3A_420, %dma_wait3A_421] : memref<204800x128xf32, #tpu.memory_space<hbm>> -> memref<128x128xf32, #tpu.memory_space<hbm>>
          %dma_wait3A_423 = arith.constant 0 : i32
          %dma_wait3A_424 = arith.constant 0 : i32
          %dma_wait3A_425 = tpu.memref_slice %arg8[%dma_wait3A_423, %dma_wait3A_424] : memref<200x128xf32, #tpu.memory_space<vmem>> -> memref<128x128xf32, #tpu.memory_space<vmem>>
          tpu.wait_dma2 semaphore(%arg20 : memref<!tpu.dma_semaphore, #tpu.memory_space<semaphore_mem>>) src(%dma_wait3A_425 : memref<128x128xf32, #tpu.memory_space<vmem>>) dst(%dma_wait3A_422 : memref<128x128xf32, #tpu.memory_space<hbm>>)
          %dma_wait3A_426 = arith.constant 128 : i32
          %dma_wait3A_427 = arith.constant 0 : i32
          %dma_wait3A_428 = tpu.memref_slice %arg8[%dma_wait3A_426, %dma_wait3A_427] : memref<200x128xf32, #tpu.memory_space<vmem>> -> memref<72x128xf32, #tpu.memory_space<vmem>>
          %dma_wait3A_429 = arith.constant 0 : i32
          %dma_wait3A_430 = arith.constant 0 : i32
          %dma_wait3A_431 = tpu.memref_slice %arg5[%dma_wait3A_429, %dma_wait3A_430] : memref<204800x128xf32, #tpu.memory_space<hbm>> -> memref<72x128xf32, #tpu.memory_space<hbm>>
          %dma_wait3A_432 = arith.constant 0 : i32
          %dma_wait3A_433 = arith.constant 0 : i32
          %dma_wait3A_434 = tpu.memref_slice %arg5[%dma_wait3A_432, %dma_wait3A_433] : memref<204800x128xf32, #tpu.memory_space<hbm>> -> memref<72x128xf32, #tpu.memory_space<hbm>>
          %dma_wait3A_435 = arith.constant 128 : i32
          %dma_wait3A_436 = arith.constant 0 : i32
          %dma_wait3A_437 = tpu.memref_slice %arg8[%dma_wait3A_435, %dma_wait3A_436] : memref<200x128xf32, #tpu.memory_space<vmem>> -> memref<72x128xf32, #tpu.memory_space<vmem>>
          tpu.wait_dma2 semaphore(%arg20 : memref<!tpu.dma_semaphore, #tpu.memory_space<semaphore_mem>>) src(%dma_wait3A_437 : memref<72x128xf32, #tpu.memory_space<vmem>>) dst(%dma_wait3A_434 : memref<72x128xf32, #tpu.memory_space<hbm>>)
        } else {
        }
        %add3A_394 = arith.constant 3 : i32
        %add3A_395 = arith.addi %add3A_220, %add3A_394 : i32
        %dma_start3A_396 = arith.constant 0 : i32
        %dma_start3A_397 = arith.constant 0 : i32
        %dma_start3A_398 = tpu.memref_slice %arg8[%dma_start3A_396, %dma_start3A_397] : memref<200x128xf32, #tpu.memory_space<vmem>> -> memref<128x128xf32, #tpu.memory_space<vmem>>
        %dma_start3A_399 = arith.constant 0 : i32
        %dma_start3A_400 = tpu.memref_slice %arg6[%add3A_395, %dma_start3A_399] : memref<32x128xi32, #tpu.memory_space<vmem>> -> memref<1x128xi32, #tpu.memory_space<vmem>>
        %dma_start3A_401 = tpu.memref_squeeze %dma_start3A_400 : memref<1x128xi32, #tpu.memory_space<vmem>> -> memref<128xi32, #tpu.memory_space<vmem>>
        %dma_start3A_402 = arith.constant 0 : i32
        %dma_start3A_403 = arith.constant 0 : i32
        %dma_start3A_404 = tpu.memref_slice %arg4[%dma_start3A_402, %dma_start3A_403] : memref<24048x128xf32, #tpu.memory_space<hbm>> -> memref<24048x128xf32, #tpu.memory_space<hbm>>
        tpu.enqueue_indirect_dma source(%dma_start3A_404 : memref<24048x128xf32, #tpu.memory_space<hbm>>) target(%dma_start3A_398 : memref<128x128xf32, #tpu.memory_space<vmem>>) offsets(%dma_start3A_401 : memref<128xi32, #tpu.memory_space<vmem>>) semaphore(%arg12 : memref<!tpu.dma_semaphore, #tpu.memory_space<semaphore_mem>>)
        %dma_start3A_405 = arith.constant 128 : i32
        %dma_start3A_406 = arith.constant 0 : i32
        %dma_start3A_407 = tpu.memref_slice %arg8[%dma_start3A_405, %dma_start3A_406] : memref<200x128xf32, #tpu.memory_space<vmem>> -> memref<72x128xf32, #tpu.memory_space<vmem>>
        %dma_start3A_408 = arith.constant 0 : i32
        %dma_start3A_409 = tpu.memref_slice %arg7[%add3A_395, %dma_start3A_408] : memref<32x128xi32, #tpu.memory_space<vmem>> -> memref<1x72xi32, #tpu.memory_space<vmem>>
        %dma_start3A_410 = tpu.memref_squeeze %dma_start3A_409 : memref<1x72xi32, #tpu.memory_space<vmem>> -> memref<72xi32, #tpu.memory_space<vmem>>
        %dma_start3A_411 = arith.constant 0 : i32
        %dma_start3A_412 = arith.constant 0 : i32
        %dma_start3A_413 = tpu.memref_slice %arg4[%dma_start3A_411, %dma_start3A_412] : memref<24048x128xf32, #tpu.memory_space<hbm>> -> memref<24048x128xf32, #tpu.memory_space<hbm>>
        tpu.enqueue_indirect_dma source(%dma_start3A_413 : memref<24048x128xf32, #tpu.memory_space<hbm>>) target(%dma_start3A_407 : memref<72x128xf32, #tpu.memory_space<vmem>>) offsets(%dma_start3A_410 : memref<72xi32, #tpu.memory_space<vmem>>) semaphore(%arg16 : memref<!tpu.dma_semaphore, #tpu.memory_space<semaphore_mem>>)
      } else {
      }
      %dma_wait3A_228 = arith.constant 0 : i32
      %dma_wait3A_229 = arith.constant 0 : i32
      %dma_wait3A_230 = arith.constant 0 : i32
      %dma_wait3A_231 = tpu.memref_slice %arg9[%dma_wait3A_229, %dma_wait3A_230] : memref<200x128xf32, #tpu.memory_space<vmem>> -> memref<128x128xf32, #tpu.memory_space<vmem>>
      %dma_wait3A_232 = arith.constant 0 : i32
      %dma_wait3A_233 = tpu.memref_slice %arg6[%dma_wait3A_228, %dma_wait3A_232] : memref<32x128xi32, #tpu.memory_space<vmem>> -> memref<1x128xi32, #tpu.memory_space<vmem>>
      %dma_wait3A_234 = tpu.memref_squeeze %dma_wait3A_233 : memref<1x128xi32, #tpu.memory_space<vmem>> -> memref<128xi32, #tpu.memory_space<vmem>>
      %dma_wait3A_235 = arith.constant 0 : i32
      %dma_wait3A_236 = arith.constant 0 : i32
      %dma_wait3A_237 = tpu.memref_slice %arg4[%dma_wait3A_235, %dma_wait3A_236] : memref<24048x128xf32, #tpu.memory_space<hbm>> -> memref<24048x128xf32, #tpu.memory_space<hbm>>
      tpu.wait_indirect_dma semaphore(%arg13 : memref<!tpu.dma_semaphore, #tpu.memory_space<semaphore_mem>>) src(%dma_wait3A_237 : memref<24048x128xf32, #tpu.memory_space<hbm>>) dst(%dma_wait3A_231 : memref<128x128xf32, #tpu.memory_space<vmem>>)
      %add3A_238 = arith.addi %mul3A_2, %add3A_220 : i32
      %mul3A_239 = arith.constant 200 : i32
      %mul3A_240 = arith.muli %add3A_238, %mul3A_239 : i32
      %dma_start3A_241 = arith.constant 0 : i32
      %dma_start3A_242 = arith.constant 0 : i32
      %dma_start3A_243 = tpu.memref_slice %arg9[%dma_start3A_241, %dma_start3A_242] : memref<200x128xf32, #tpu.memory_space<vmem>> -> memref<128x128xf32, #tpu.memory_space<vmem>>
      %dma_start3A_244 = arith.constant 0 : i32
      %dma_start3A_245 = tpu.memref_slice %arg5[%mul3A_240, %dma_start3A_244] : memref<204800x128xf32, #tpu.memory_space<hbm>> -> memref<128x128xf32, #tpu.memory_space<hbm>>
      %dma_start3A_246 = arith.constant 0 : i32
      %dma_start3A_247 = tpu.memref_slice %arg5[%mul3A_240, %dma_start3A_246] : memref<204800x128xf32, #tpu.memory_space<hbm>> -> memref<128x128xf32, #tpu.memory_space<hbm>>
      %dma_start3A_248 = arith.constant 0 : i32
      %dma_start3A_249 = arith.constant 0 : i32
      %dma_start3A_250 = tpu.memref_slice %arg9[%dma_start3A_248, %dma_start3A_249] : memref<200x128xf32, #tpu.memory_space<vmem>> -> memref<128x128xf32, #tpu.memory_space<vmem>>
      tpu.enqueue_dma source(%dma_start3A_250 : memref<128x128xf32, #tpu.memory_space<vmem>>) target(%dma_start3A_247 : memref<128x128xf32, #tpu.memory_space<hbm>>) target_semaphore(%arg21 : memref<!tpu.dma_semaphore, #tpu.memory_space<semaphore_mem>>)
      %dma_wait3A_251 = arith.constant 0 : i32
      %dma_wait3A_252 = arith.constant 128 : i32
      %dma_wait3A_253 = arith.constant 0 : i32
      %dma_wait3A_254 = tpu.memref_slice %arg9[%dma_wait3A_252, %dma_wait3A_253] : memref<200x128xf32, #tpu.memory_space<vmem>> -> memref<72x128xf32, #tpu.memory_space<vmem>>
      %dma_wait3A_255 = arith.constant 0 : i32
      %dma_wait3A_256 = tpu.memref_slice %arg7[%dma_wait3A_251, %dma_wait3A_255] : memref<32x128xi32, #tpu.memory_space<vmem>> -> memref<1x72xi32, #tpu.memory_space<vmem>>
      %dma_wait3A_257 = tpu.memref_squeeze %dma_wait3A_256 : memref<1x72xi32, #tpu.memory_space<vmem>> -> memref<72xi32, #tpu.memory_space<vmem>>
      %dma_wait3A_258 = arith.constant 0 : i32
      %dma_wait3A_259 = arith.constant 0 : i32
      %dma_wait3A_260 = tpu.memref_slice %arg4[%dma_wait3A_258, %dma_wait3A_259] : memref<24048x128xf32, #tpu.memory_space<hbm>> -> memref<24048x128xf32, #tpu.memory_space<hbm>>
      tpu.wait_indirect_dma semaphore(%arg17 : memref<!tpu.dma_semaphore, #tpu.memory_space<semaphore_mem>>) src(%dma_wait3A_260 : memref<24048x128xf32, #tpu.memory_space<hbm>>) dst(%dma_wait3A_254 : memref<72x128xf32, #tpu.memory_space<vmem>>)
      %add3A_261 = arith.addi %mul3A_2, %add3A_220 : i32
      %mul3A_262 = arith.constant 200 : i32
      %mul3A_263 = arith.muli %add3A_261, %mul3A_262 : i32
      %add3A_264 = arith.constant 128 : i32
      %add3A_265 = arith.addi %mul3A_263, %add3A_264 : i32
      %dma_start3A_266 = arith.constant 128 : i32
      %dma_start3A_267 = arith.constant 0 : i32
      %dma_start3A_268 = tpu.memref_slice %arg9[%dma_start3A_266, %dma_start3A_267] : memref<200x128xf32, #tpu.memory_space<vmem>> -> memref<72x128xf32, #tpu.memory_space<vmem>>
      %dma_start3A_269 = arith.constant 0 : i32
      %dma_start3A_270 = tpu.memref_slice %arg5[%add3A_265, %dma_start3A_269] : memref<204800x128xf32, #tpu.memory_space<hbm>> -> memref<72x128xf32, #tpu.memory_space<hbm>>
      %dma_start3A_271 = arith.constant 0 : i32
      %dma_start3A_272 = tpu.memref_slice %arg5[%add3A_265, %dma_start3A_271] : memref<204800x128xf32, #tpu.memory_space<hbm>> -> memref<72x128xf32, #tpu.memory_space<hbm>>
      %dma_start3A_273 = arith.constant 128 : i32
      %dma_start3A_274 = arith.constant 0 : i32
      %dma_start3A_275 = tpu.memref_slice %arg9[%dma_start3A_273, %dma_start3A_274] : memref<200x128xf32, #tpu.memory_space<vmem>> -> memref<72x128xf32, #tpu.memory_space<vmem>>
      tpu.enqueue_dma source(%dma_start3A_275 : memref<72x128xf32, #tpu.memory_space<vmem>>) target(%dma_start3A_272 : memref<72x128xf32, #tpu.memory_space<hbm>>) target_semaphore(%arg21 : memref<!tpu.dma_semaphore, #tpu.memory_space<semaphore_mem>>)
      %add3A_276 = arith.constant 2 : i32
      %add3A_277 = arith.addi %mul3A_164, %add3A_276 : i32
      %add3A_278 = arith.constant 3 : i32
      %add3A_279 = arith.addi %add3A_277, %add3A_278 : i32
      %lt3A_280 = arith.constant 32 : i32
      %lt3A_281 = arith.cmpi slt, %add3A_279, %lt3A_280 : i32
      %convert_element_type3A_282 = arith.extui %lt3A_281 : i1 to i32
      %cond3A_283 = arith.constant 0 : i32
      %cond3A_284 = arith.cmpi ne, %convert_element_type3A_282, %cond3A_283 : i32
      scf.if %cond3A_284 {
        %ge3A = arith.constant 1 : i32
        %ge3A_390 = arith.cmpi sge, %add3A_277, %ge3A : i32
        %convert_element_type3A_391 = arith.extui %ge3A_390 : i1 to i32
        %cond3A_392 = arith.constant 0 : i32
        %cond3A_393 = arith.cmpi ne, %convert_element_type3A_391, %cond3A_392 : i32
        scf.if %cond3A_393 {
          %dma_wait3A_414 = arith.constant 0 : i32
          %dma_wait3A_415 = arith.constant 0 : i32
          %dma_wait3A_416 = tpu.memref_slice %arg9[%dma_wait3A_414, %dma_wait3A_415] : memref<200x128xf32, #tpu.memory_space<vmem>> -> memref<128x128xf32, #tpu.memory_space<vmem>>
          %dma_wait3A_417 = arith.constant 0 : i32
          %dma_wait3A_418 = arith.constant 0 : i32
          %dma_wait3A_419 = tpu.memref_slice %arg5[%dma_wait3A_417, %dma_wait3A_418] : memref<204800x128xf32, #tpu.memory_space<hbm>> -> memref<128x128xf32, #tpu.memory_space<hbm>>
          %dma_wait3A_420 = arith.constant 0 : i32
          %dma_wait3A_421 = arith.constant 0 : i32
          %dma_wait3A_422 = tpu.memref_slice %arg5[%dma_wait3A_420, %dma_wait3A_421] : memref<204800x128xf32, #tpu.memory_space<hbm>> -> memref<128x128xf32, #tpu.memory_space<hbm>>
          %dma_wait3A_423 = arith.constant 0 : i32
          %dma_wait3A_424 = arith.constant 0 : i32
          %dma_wait3A_425 = tpu.memref_slice %arg9[%dma_wait3A_423, %dma_wait3A_424] : memref<200x128xf32, #tpu.memory_space<vmem>> -> memref<128x128xf32, #tpu.memory_space<vmem>>
          tpu.wait_dma2 semaphore(%arg21 : memref<!tpu.dma_semaphore, #tpu.memory_space<semaphore_mem>>) src(%dma_wait3A_425 : memref<128x128xf32, #tpu.memory_space<vmem>>) dst(%dma_wait3A_422 : memref<128x128xf32, #tpu.memory_space<hbm>>)
          %dma_wait3A_426 = arith.constant 128 : i32
          %dma_wait3A_427 = arith.constant 0 : i32
          %dma_wait3A_428 = tpu.memref_slice %arg9[%dma_wait3A_426, %dma_wait3A_427] : memref<200x128xf32, #tpu.memory_space<vmem>> -> memref<72x128xf32, #tpu.memory_space<vmem>>
          %dma_wait3A_429 = arith.constant 0 : i32
          %dma_wait3A_430 = arith.constant 0 : i32
          %dma_wait3A_431 = tpu.memref_slice %arg5[%dma_wait3A_429, %dma_wait3A_430] : memref<204800x128xf32, #tpu.memory_space<hbm>> -> memref<72x128xf32, #tpu.memory_space<hbm>>
          %dma_wait3A_432 = arith.constant 0 : i32
          %dma_wait3A_433 = arith.constant 0 : i32
          %dma_wait3A_434 = tpu.memref_slice %arg5[%dma_wait3A_432, %dma_wait3A_433] : memref<204800x128xf32, #tpu.memory_space<hbm>> -> memref<72x128xf32, #tpu.memory_space<hbm>>
          %dma_wait3A_435 = arith.constant 128 : i32
          %dma_wait3A_436 = arith.constant 0 : i32
          %dma_wait3A_437 = tpu.memref_slice %arg9[%dma_wait3A_435, %dma_wait3A_436] : memref<200x128xf32, #tpu.memory_space<vmem>> -> memref<72x128xf32, #tpu.memory_space<vmem>>
          tpu.wait_dma2 semaphore(%arg21 : memref<!tpu.dma_semaphore, #tpu.memory_space<semaphore_mem>>) src(%dma_wait3A_437 : memref<72x128xf32, #tpu.memory_space<vmem>>) dst(%dma_wait3A_434 : memref<72x128xf32, #tpu.memory_space<hbm>>)
        } else {
        }
        %add3A_394 = arith.constant 3 : i32
        %add3A_395 = arith.addi %add3A_277, %add3A_394 : i32
        %dma_start3A_396 = arith.constant 0 : i32
        %dma_start3A_397 = arith.constant 0 : i32
        %dma_start3A_398 = tpu.memref_slice %arg9[%dma_start3A_396, %dma_start3A_397] : memref<200x128xf32, #tpu.memory_space<vmem>> -> memref<128x128xf32, #tpu.memory_space<vmem>>
        %dma_start3A_399 = arith.constant 0 : i32
        %dma_start3A_400 = tpu.memref_slice %arg6[%add3A_395, %dma_start3A_399] : memref<32x128xi32, #tpu.memory_space<vmem>> -> memref<1x128xi32, #tpu.memory_space<vmem>>
        %dma_start3A_401 = tpu.memref_squeeze %dma_start3A_400 : memref<1x128xi32, #tpu.memory_space<vmem>> -> memref<128xi32, #tpu.memory_space<vmem>>
        %dma_start3A_402 = arith.constant 0 : i32
        %dma_start3A_403 = arith.constant 0 : i32
        %dma_start3A_404 = tpu.memref_slice %arg4[%dma_start3A_402, %dma_start3A_403] : memref<24048x128xf32, #tpu.memory_space<hbm>> -> memref<24048x128xf32, #tpu.memory_space<hbm>>
        tpu.enqueue_indirect_dma source(%dma_start3A_404 : memref<24048x128xf32, #tpu.memory_space<hbm>>) target(%dma_start3A_398 : memref<128x128xf32, #tpu.memory_space<vmem>>) offsets(%dma_start3A_401 : memref<128xi32, #tpu.memory_space<vmem>>) semaphore(%arg13 : memref<!tpu.dma_semaphore, #tpu.memory_space<semaphore_mem>>)
        %dma_start3A_405 = arith.constant 128 : i32
        %dma_start3A_406 = arith.constant 0 : i32
        %dma_start3A_407 = tpu.memref_slice %arg9[%dma_start3A_405, %dma_start3A_406] : memref<200x128xf32, #tpu.memory_space<vmem>> -> memref<72x128xf32, #tpu.memory_space<vmem>>
        %dma_start3A_408 = arith.constant 0 : i32
        %dma_start3A_409 = tpu.memref_slice %arg7[%add3A_395, %dma_start3A_408] : memref<32x128xi32, #tpu.memory_space<vmem>> -> memref<1x72xi32, #tpu.memory_space<vmem>>
        %dma_start3A_410 = tpu.memref_squeeze %dma_start3A_409 : memref<1x72xi32, #tpu.memory_space<vmem>> -> memref<72xi32, #tpu.memory_space<vmem>>
        %dma_start3A_411 = arith.constant 0 : i32
        %dma_start3A_412 = arith.constant 0 : i32
        %dma_start3A_413 = tpu.memref_slice %arg4[%dma_start3A_411, %dma_start3A_412] : memref<24048x128xf32, #tpu.memory_space<hbm>> -> memref<24048x128xf32, #tpu.memory_space<hbm>>
        tpu.enqueue_indirect_dma source(%dma_start3A_413 : memref<24048x128xf32, #tpu.memory_space<hbm>>) target(%dma_start3A_407 : memref<72x128xf32, #tpu.memory_space<vmem>>) offsets(%dma_start3A_410 : memref<72xi32, #tpu.memory_space<vmem>>) semaphore(%arg17 : memref<!tpu.dma_semaphore, #tpu.memory_space<semaphore_mem>>)
      } else {
      }
      %dma_wait3A_285 = arith.constant 0 : i32
      %dma_wait3A_286 = arith.constant 0 : i32
      %dma_wait3A_287 = arith.constant 0 : i32
      %dma_wait3A_288 = tpu.memref_slice %arg10[%dma_wait3A_286, %dma_wait3A_287] : memref<200x128xf32, #tpu.memory_space<vmem>> -> memref<128x128xf32, #tpu.memory_space<vmem>>
      %dma_wait3A_289 = arith.constant 0 : i32
      %dma_wait3A_290 = tpu.memref_slice %arg6[%dma_wait3A_285, %dma_wait3A_289] : memref<32x128xi32, #tpu.memory_space<vmem>> -> memref<1x128xi32, #tpu.memory_space<vmem>>
      %dma_wait3A_291 = tpu.memref_squeeze %dma_wait3A_290 : memref<1x128xi32, #tpu.memory_space<vmem>> -> memref<128xi32, #tpu.memory_space<vmem>>
      %dma_wait3A_292 = arith.constant 0 : i32
      %dma_wait3A_293 = arith.constant 0 : i32
      %dma_wait3A_294 = tpu.memref_slice %arg4[%dma_wait3A_292, %dma_wait3A_293] : memref<24048x128xf32, #tpu.memory_space<hbm>> -> memref<24048x128xf32, #tpu.memory_space<hbm>>
      tpu.wait_indirect_dma semaphore(%arg14 : memref<!tpu.dma_semaphore, #tpu.memory_space<semaphore_mem>>) src(%dma_wait3A_294 : memref<24048x128xf32, #tpu.memory_space<hbm>>) dst(%dma_wait3A_288 : memref<128x128xf32, #tpu.memory_space<vmem>>)
      %add3A_295 = arith.addi %mul3A_2, %add3A_277 : i32
      %mul3A_296 = arith.constant 200 : i32
      %mul3A_297 = arith.muli %add3A_295, %mul3A_296 : i32
      %dma_start3A_298 = arith.constant 0 : i32
      %dma_start3A_299 = arith.constant 0 : i32
      %dma_start3A_300 = tpu.memref_slice %arg10[%dma_start3A_298, %dma_start3A_299] : memref<200x128xf32, #tpu.memory_space<vmem>> -> memref<128x128xf32, #tpu.memory_space<vmem>>
      %dma_start3A_301 = arith.constant 0 : i32
      %dma_start3A_302 = tpu.memref_slice %arg5[%mul3A_297, %dma_start3A_301] : memref<204800x128xf32, #tpu.memory_space<hbm>> -> memref<128x128xf32, #tpu.memory_space<hbm>>
      %dma_start3A_303 = arith.constant 0 : i32
      %dma_start3A_304 = tpu.memref_slice %arg5[%mul3A_297, %dma_start3A_303] : memref<204800x128xf32, #tpu.memory_space<hbm>> -> memref<128x128xf32, #tpu.memory_space<hbm>>
      %dma_start3A_305 = arith.constant 0 : i32
      %dma_start3A_306 = arith.constant 0 : i32
      %dma_start3A_307 = tpu.memref_slice %arg10[%dma_start3A_305, %dma_start3A_306] : memref<200x128xf32, #tpu.memory_space<vmem>> -> memref<128x128xf32, #tpu.memory_space<vmem>>
      tpu.enqueue_dma source(%dma_start3A_307 : memref<128x128xf32, #tpu.memory_space<vmem>>) target(%dma_start3A_304 : memref<128x128xf32, #tpu.memory_space<hbm>>) target_semaphore(%arg22 : memref<!tpu.dma_semaphore, #tpu.memory_space<semaphore_mem>>)
      %dma_wait3A_308 = arith.constant 0 : i32
      %dma_wait3A_309 = arith.constant 128 : i32
      %dma_wait3A_310 = arith.constant 0 : i32
      %dma_wait3A_311 = tpu.memref_slice %arg10[%dma_wait3A_309, %dma_wait3A_310] : memref<200x128xf32, #tpu.memory_space<vmem>> -> memref<72x128xf32, #tpu.memory_space<vmem>>
      %dma_wait3A_312 = arith.constant 0 : i32
      %dma_wait3A_313 = tpu.memref_slice %arg7[%dma_wait3A_308, %dma_wait3A_312] : memref<32x128xi32, #tpu.memory_space<vmem>> -> memref<1x72xi32, #tpu.memory_space<vmem>>
      %dma_wait3A_314 = tpu.memref_squeeze %dma_wait3A_313 : memref<1x72xi32, #tpu.memory_space<vmem>> -> memref<72xi32, #tpu.memory_space<vmem>>
      %dma_wait3A_315 = arith.constant 0 : i32
      %dma_wait3A_316 = arith.constant 0 : i32
      %dma_wait3A_317 = tpu.memref_slice %arg4[%dma_wait3A_315, %dma_wait3A_316] : memref<24048x128xf32, #tpu.memory_space<hbm>> -> memref<24048x128xf32, #tpu.memory_space<hbm>>
      tpu.wait_indirect_dma semaphore(%arg18 : memref<!tpu.dma_semaphore, #tpu.memory_space<semaphore_mem>>) src(%dma_wait3A_317 : memref<24048x128xf32, #tpu.memory_space<hbm>>) dst(%dma_wait3A_311 : memref<72x128xf32, #tpu.memory_space<vmem>>)
      %add3A_318 = arith.addi %mul3A_2, %add3A_277 : i32
      %mul3A_319 = arith.constant 200 : i32
      %mul3A_320 = arith.muli %add3A_318, %mul3A_319 : i32
      %add3A_321 = arith.constant 128 : i32
      %add3A_322 = arith.addi %mul3A_320, %add3A_321 : i32
      %dma_start3A_323 = arith.constant 128 : i32
      %dma_start3A_324 = arith.constant 0 : i32
      %dma_start3A_325 = tpu.memref_slice %arg10[%dma_start3A_323, %dma_start3A_324] : memref<200x128xf32, #tpu.memory_space<vmem>> -> memref<72x128xf32, #tpu.memory_space<vmem>>
      %dma_start3A_326 = arith.constant 0 : i32
      %dma_start3A_327 = tpu.memref_slice %arg5[%add3A_322, %dma_start3A_326] : memref<204800x128xf32, #tpu.memory_space<hbm>> -> memref<72x128xf32, #tpu.memory_space<hbm>>
      %dma_start3A_328 = arith.constant 0 : i32
      %dma_start3A_329 = tpu.memref_slice %arg5[%add3A_322, %dma_start3A_328] : memref<204800x128xf32, #tpu.memory_space<hbm>> -> memref<72x128xf32, #tpu.memory_space<hbm>>
      %dma_start3A_330 = arith.constant 128 : i32
      %dma_start3A_331 = arith.constant 0 : i32
      %dma_start3A_332 = tpu.memref_slice %arg10[%dma_start3A_330, %dma_start3A_331] : memref<200x128xf32, #tpu.memory_space<vmem>> -> memref<72x128xf32, #tpu.memory_space<vmem>>
      tpu.enqueue_dma source(%dma_start3A_332 : memref<72x128xf32, #tpu.memory_space<vmem>>) target(%dma_start3A_329 : memref<72x128xf32, #tpu.memory_space<hbm>>) target_semaphore(%arg22 : memref<!tpu.dma_semaphore, #tpu.memory_space<semaphore_mem>>)
      %add3A_333 = arith.constant 3 : i32
      %add3A_334 = arith.addi %mul3A_164, %add3A_333 : i32
      %add3A_335 = arith.constant 3 : i32
      %add3A_336 = arith.addi %add3A_334, %add3A_335 : i32
      %lt3A_337 = arith.constant 32 : i32
      %lt3A_338 = arith.cmpi slt, %add3A_336, %lt3A_337 : i32
      %convert_element_type3A_339 = arith.extui %lt3A_338 : i1 to i32
      %cond3A_340 = arith.constant 0 : i32
      %cond3A_341 = arith.cmpi ne, %convert_element_type3A_339, %cond3A_340 : i32
      scf.if %cond3A_341 {
        %ge3A = arith.constant 1 : i32
        %ge3A_390 = arith.cmpi sge, %add3A_334, %ge3A : i32
        %convert_element_type3A_391 = arith.extui %ge3A_390 : i1 to i32
        %cond3A_392 = arith.constant 0 : i32
        %cond3A_393 = arith.cmpi ne, %convert_element_type3A_391, %cond3A_392 : i32
        scf.if %cond3A_393 {
          %dma_wait3A_414 = arith.constant 0 : i32
          %dma_wait3A_415 = arith.constant 0 : i32
          %dma_wait3A_416 = tpu.memref_slice %arg10[%dma_wait3A_414, %dma_wait3A_415] : memref<200x128xf32, #tpu.memory_space<vmem>> -> memref<128x128xf32, #tpu.memory_space<vmem>>
          %dma_wait3A_417 = arith.constant 0 : i32
          %dma_wait3A_418 = arith.constant 0 : i32
          %dma_wait3A_419 = tpu.memref_slice %arg5[%dma_wait3A_417, %dma_wait3A_418] : memref<204800x128xf32, #tpu.memory_space<hbm>> -> memref<128x128xf32, #tpu.memory_space<hbm>>
          %dma_wait3A_420 = arith.constant 0 : i32
          %dma_wait3A_421 = arith.constant 0 : i32
          %dma_wait3A_422 = tpu.memref_slice %arg5[%dma_wait3A_420, %dma_wait3A_421] : memref<204800x128xf32, #tpu.memory_space<hbm>> -> memref<128x128xf32, #tpu.memory_space<hbm>>
          %dma_wait3A_423 = arith.constant 0 : i32
          %dma_wait3A_424 = arith.constant 0 : i32
          %dma_wait3A_425 = tpu.memref_slice %arg10[%dma_wait3A_423, %dma_wait3A_424] : memref<200x128xf32, #tpu.memory_space<vmem>> -> memref<128x128xf32, #tpu.memory_space<vmem>>
          tpu.wait_dma2 semaphore(%arg22 : memref<!tpu.dma_semaphore, #tpu.memory_space<semaphore_mem>>) src(%dma_wait3A_425 : memref<128x128xf32, #tpu.memory_space<vmem>>) dst(%dma_wait3A_422 : memref<128x128xf32, #tpu.memory_space<hbm>>)
          %dma_wait3A_426 = arith.constant 128 : i32
          %dma_wait3A_427 = arith.constant 0 : i32
          %dma_wait3A_428 = tpu.memref_slice %arg10[%dma_wait3A_426, %dma_wait3A_427] : memref<200x128xf32, #tpu.memory_space<vmem>> -> memref<72x128xf32, #tpu.memory_space<vmem>>
          %dma_wait3A_429 = arith.constant 0 : i32
          %dma_wait3A_430 = arith.constant 0 : i32
          %dma_wait3A_431 = tpu.memref_slice %arg5[%dma_wait3A_429, %dma_wait3A_430] : memref<204800x128xf32, #tpu.memory_space<hbm>> -> memref<72x128xf32, #tpu.memory_space<hbm>>
          %dma_wait3A_432 = arith.constant 0 : i32
          %dma_wait3A_433 = arith.constant 0 : i32
          %dma_wait3A_434 = tpu.memref_slice %arg5[%dma_wait3A_432, %dma_wait3A_433] : memref<204800x128xf32, #tpu.memory_space<hbm>> -> memref<72x128xf32, #tpu.memory_space<hbm>>
          %dma_wait3A_435 = arith.constant 128 : i32
          %dma_wait3A_436 = arith.constant 0 : i32
          %dma_wait3A_437 = tpu.memref_slice %arg10[%dma_wait3A_435, %dma_wait3A_436] : memref<200x128xf32, #tpu.memory_space<vmem>> -> memref<72x128xf32, #tpu.memory_space<vmem>>
          tpu.wait_dma2 semaphore(%arg22 : memref<!tpu.dma_semaphore, #tpu.memory_space<semaphore_mem>>) src(%dma_wait3A_437 : memref<72x128xf32, #tpu.memory_space<vmem>>) dst(%dma_wait3A_434 : memref<72x128xf32, #tpu.memory_space<hbm>>)
        } else {
        }
        %add3A_394 = arith.constant 3 : i32
        %add3A_395 = arith.addi %add3A_334, %add3A_394 : i32
        %dma_start3A_396 = arith.constant 0 : i32
        %dma_start3A_397 = arith.constant 0 : i32
        %dma_start3A_398 = tpu.memref_slice %arg10[%dma_start3A_396, %dma_start3A_397] : memref<200x128xf32, #tpu.memory_space<vmem>> -> memref<128x128xf32, #tpu.memory_space<vmem>>
        %dma_start3A_399 = arith.constant 0 : i32
        %dma_start3A_400 = tpu.memref_slice %arg6[%add3A_395, %dma_start3A_399] : memref<32x128xi32, #tpu.memory_space<vmem>> -> memref<1x128xi32, #tpu.memory_space<vmem>>
        %dma_start3A_401 = tpu.memref_squeeze %dma_start3A_400 : memref<1x128xi32, #tpu.memory_space<vmem>> -> memref<128xi32, #tpu.memory_space<vmem>>
        %dma_start3A_402 = arith.constant 0 : i32
        %dma_start3A_403 = arith.constant 0 : i32
        %dma_start3A_404 = tpu.memref_slice %arg4[%dma_start3A_402, %dma_start3A_403] : memref<24048x128xf32, #tpu.memory_space<hbm>> -> memref<24048x128xf32, #tpu.memory_space<hbm>>
        tpu.enqueue_indirect_dma source(%dma_start3A_404 : memref<24048x128xf32, #tpu.memory_space<hbm>>) target(%dma_start3A_398 : memref<128x128xf32, #tpu.memory_space<vmem>>) offsets(%dma_start3A_401 : memref<128xi32, #tpu.memory_space<vmem>>) semaphore(%arg14 : memref<!tpu.dma_semaphore, #tpu.memory_space<semaphore_mem>>)
        %dma_start3A_405 = arith.constant 128 : i32
        %dma_start3A_406 = arith.constant 0 : i32
        %dma_start3A_407 = tpu.memref_slice %arg10[%dma_start3A_405, %dma_start3A_406] : memref<200x128xf32, #tpu.memory_space<vmem>> -> memref<72x128xf32, #tpu.memory_space<vmem>>
        %dma_start3A_408 = arith.constant 0 : i32
        %dma_start3A_409 = tpu.memref_slice %arg7[%add3A_395, %dma_start3A_408] : memref<32x128xi32, #tpu.memory_space<vmem>> -> memref<1x72xi32, #tpu.memory_space<vmem>>
        %dma_start3A_410 = tpu.memref_squeeze %dma_start3A_409 : memref<1x72xi32, #tpu.memory_space<vmem>> -> memref<72xi32, #tpu.memory_space<vmem>>
        %dma_start3A_411 = arith.constant 0 : i32
        %dma_start3A_412 = arith.constant 0 : i32
        %dma_start3A_413 = tpu.memref_slice %arg4[%dma_start3A_411, %dma_start3A_412] : memref<24048x128xf32, #tpu.memory_space<hbm>> -> memref<24048x128xf32, #tpu.memory_space<hbm>>
        tpu.enqueue_indirect_dma source(%dma_start3A_413 : memref<24048x128xf32, #tpu.memory_space<hbm>>) target(%dma_start3A_407 : memref<72x128xf32, #tpu.memory_space<vmem>>) offsets(%dma_start3A_410 : memref<72xi32, #tpu.memory_space<vmem>>) semaphore(%arg18 : memref<!tpu.dma_semaphore, #tpu.memory_space<semaphore_mem>>)
      } else {
      }
      %dma_wait3A_342 = arith.constant 0 : i32
      %dma_wait3A_343 = arith.constant 0 : i32
      %dma_wait3A_344 = arith.constant 0 : i32
      %dma_wait3A_345 = tpu.memref_slice %arg11[%dma_wait3A_343, %dma_wait3A_344] : memref<200x128xf32, #tpu.memory_space<vmem>> -> memref<128x128xf32, #tpu.memory_space<vmem>>
      %dma_wait3A_346 = arith.constant 0 : i32
      %dma_wait3A_347 = tpu.memref_slice %arg6[%dma_wait3A_342, %dma_wait3A_346] : memref<32x128xi32, #tpu.memory_space<vmem>> -> memref<1x128xi32, #tpu.memory_space<vmem>>
      %dma_wait3A_348 = tpu.memref_squeeze %dma_wait3A_347 : memref<1x128xi32, #tpu.memory_space<vmem>> -> memref<128xi32, #tpu.memory_space<vmem>>
      %dma_wait3A_349 = arith.constant 0 : i32
      %dma_wait3A_350 = arith.constant 0 : i32
      %dma_wait3A_351 = tpu.memref_slice %arg4[%dma_wait3A_349, %dma_wait3A_350] : memref<24048x128xf32, #tpu.memory_space<hbm>> -> memref<24048x128xf32, #tpu.memory_space<hbm>>
      tpu.wait_indirect_dma semaphore(%arg15 : memref<!tpu.dma_semaphore, #tpu.memory_space<semaphore_mem>>) src(%dma_wait3A_351 : memref<24048x128xf32, #tpu.memory_space<hbm>>) dst(%dma_wait3A_345 : memref<128x128xf32, #tpu.memory_space<vmem>>)
      %add3A_352 = arith.addi %mul3A_2, %add3A_334 : i32
      %mul3A_353 = arith.constant 200 : i32
      %mul3A_354 = arith.muli %add3A_352, %mul3A_353 : i32
      %dma_start3A_355 = arith.constant 0 : i32
      %dma_start3A_356 = arith.constant 0 : i32
      %dma_start3A_357 = tpu.memref_slice %arg11[%dma_start3A_355, %dma_start3A_356] : memref<200x128xf32, #tpu.memory_space<vmem>> -> memref<128x128xf32, #tpu.memory_space<vmem>>
      %dma_start3A_358 = arith.constant 0 : i32
      %dma_start3A_359 = tpu.memref_slice %arg5[%mul3A_354, %dma_start3A_358] : memref<204800x128xf32, #tpu.memory_space<hbm>> -> memref<128x128xf32, #tpu.memory_space<hbm>>
      %dma_start3A_360 = arith.constant 0 : i32
      %dma_start3A_361 = tpu.memref_slice %arg5[%mul3A_354, %dma_start3A_360] : memref<204800x128xf32, #tpu.memory_space<hbm>> -> memref<128x128xf32, #tpu.memory_space<hbm>>
      %dma_start3A_362 = arith.constant 0 : i32
      %dma_start3A_363 = arith.constant 0 : i32
      %dma_start3A_364 = tpu.memref_slice %arg11[%dma_start3A_362, %dma_start3A_363] : memref<200x128xf32, #tpu.memory_space<vmem>> -> memref<128x128xf32, #tpu.memory_space<vmem>>
      tpu.enqueue_dma source(%dma_start3A_364 : memref<128x128xf32, #tpu.memory_space<vmem>>) target(%dma_start3A_361 : memref<128x128xf32, #tpu.memory_space<hbm>>) target_semaphore(%arg23 : memref<!tpu.dma_semaphore, #tpu.memory_space<semaphore_mem>>)
      %dma_wait3A_365 = arith.constant 0 : i32
      %dma_wait3A_366 = arith.constant 128 : i32
      %dma_wait3A_367 = arith.constant 0 : i32
      %dma_wait3A_368 = tpu.memref_slice %arg11[%dma_wait3A_366, %dma_wait3A_367] : memref<200x128xf32, #tpu.memory_space<vmem>> -> memref<72x128xf32, #tpu.memory_space<vmem>>
      %dma_wait3A_369 = arith.constant 0 : i32
      %dma_wait3A_370 = tpu.memref_slice %arg7[%dma_wait3A_365, %dma_wait3A_369] : memref<32x128xi32, #tpu.memory_space<vmem>> -> memref<1x72xi32, #tpu.memory_space<vmem>>
      %dma_wait3A_371 = tpu.memref_squeeze %dma_wait3A_370 : memref<1x72xi32, #tpu.memory_space<vmem>> -> memref<72xi32, #tpu.memory_space<vmem>>
      %dma_wait3A_372 = arith.constant 0 : i32
      %dma_wait3A_373 = arith.constant 0 : i32
      %dma_wait3A_374 = tpu.memref_slice %arg4[%dma_wait3A_372, %dma_wait3A_373] : memref<24048x128xf32, #tpu.memory_space<hbm>> -> memref<24048x128xf32, #tpu.memory_space<hbm>>
      tpu.wait_indirect_dma semaphore(%arg19 : memref<!tpu.dma_semaphore, #tpu.memory_space<semaphore_mem>>) src(%dma_wait3A_374 : memref<24048x128xf32, #tpu.memory_space<hbm>>) dst(%dma_wait3A_368 : memref<72x128xf32, #tpu.memory_space<vmem>>)
      %add3A_375 = arith.addi %mul3A_2, %add3A_334 : i32
      %mul3A_376 = arith.constant 200 : i32
      %mul3A_377 = arith.muli %add3A_375, %mul3A_376 : i32
      %add3A_378 = arith.constant 128 : i32
      %add3A_379 = arith.addi %mul3A_377, %add3A_378 : i32
      %dma_start3A_380 = arith.constant 128 : i32
      %dma_start3A_381 = arith.constant 0 : i32
      %dma_start3A_382 = tpu.memref_slice %arg11[%dma_start3A_380, %dma_start3A_381] : memref<200x128xf32, #tpu.memory_space<vmem>> -> memref<72x128xf32, #tpu.memory_space<vmem>>
      %dma_start3A_383 = arith.constant 0 : i32
      %dma_start3A_384 = tpu.memref_slice %arg5[%add3A_379, %dma_start3A_383] : memref<204800x128xf32, #tpu.memory_space<hbm>> -> memref<72x128xf32, #tpu.memory_space<hbm>>
      %dma_start3A_385 = arith.constant 0 : i32
      %dma_start3A_386 = tpu.memref_slice %arg5[%add3A_379, %dma_start3A_385] : memref<204800x128xf32, #tpu.memory_space<hbm>> -> memref<72x128xf32, #tpu.memory_space<hbm>>
      %dma_start3A_387 = arith.constant 128 : i32
      %dma_start3A_388 = arith.constant 0 : i32
      %dma_start3A_389 = tpu.memref_slice %arg11[%dma_start3A_387, %dma_start3A_388] : memref<200x128xf32, #tpu.memory_space<vmem>> -> memref<72x128xf32, #tpu.memory_space<vmem>>
      tpu.enqueue_dma source(%dma_start3A_389 : memref<72x128xf32, #tpu.memory_space<vmem>>) target(%dma_start3A_386 : memref<72x128xf32, #tpu.memory_space<hbm>>) target_semaphore(%arg23 : memref<!tpu.dma_semaphore, #tpu.memory_space<semaphore_mem>>)
    }
    %scan3A_66 = arith.constant 8 : i32
    %dma_wait3A = arith.constant 0 : i32
    %dma_wait3A_67 = arith.constant 0 : i32
    %dma_wait3A_68 = tpu.memref_slice %arg8[%dma_wait3A, %dma_wait3A_67] : memref<200x128xf32, #tpu.memory_space<vmem>> -> memref<128x128xf32, #tpu.memory_space<vmem>>
    %dma_wait3A_69 = arith.constant 0 : i32
    %dma_wait3A_70 = arith.constant 0 : i32
    %dma_wait3A_71 = tpu.memref_slice %arg5[%dma_wait3A_69, %dma_wait3A_70] : memref<204800x128xf32, #tpu.memory_space<hbm>> -> memref<128x128xf32, #tpu.memory_space<hbm>>
    %dma_wait3A_72 = arith.constant 0 : i32
    %dma_wait3A_73 = arith.constant 0 : i32
    %dma_wait3A_74 = tpu.memref_slice %arg5[%dma_wait3A_72, %dma_wait3A_73] : memref<204800x128xf32, #tpu.memory_space<hbm>> -> memref<128x128xf32, #tpu.memory_space<hbm>>
    %dma_wait3A_75 = arith.constant 0 : i32
    %dma_wait3A_76 = arith.constant 0 : i32
    %dma_wait3A_77 = tpu.memref_slice %arg8[%dma_wait3A_75, %dma_wait3A_76] : memref<200x128xf32, #tpu.memory_space<vmem>> -> memref<128x128xf32, #tpu.memory_space<vmem>>
    tpu.wait_dma2 semaphore(%arg20 : memref<!tpu.dma_semaphore, #tpu.memory_space<semaphore_mem>>) src(%dma_wait3A_77 : memref<128x128xf32, #tpu.memory_space<vmem>>) dst(%dma_wait3A_74 : memref<128x128xf32, #tpu.memory_space<hbm>>)
    %dma_wait3A_78 = arith.constant 128 : i32
    %dma_wait3A_79 = arith.constant 0 : i32
    %dma_wait3A_80 = tpu.memref_slice %arg8[%dma_wait3A_78, %dma_wait3A_79] : memref<200x128xf32, #tpu.memory_space<vmem>> -> memref<72x128xf32, #tpu.memory_space<vmem>>
    %dma_wait3A_81 = arith.constant 0 : i32
    %dma_wait3A_82 = arith.constant 0 : i32
    %dma_wait3A_83 = tpu.memref_slice %arg5[%dma_wait3A_81, %dma_wait3A_82] : memref<204800x128xf32, #tpu.memory_space<hbm>> -> memref<72x128xf32, #tpu.memory_space<hbm>>
    %dma_wait3A_84 = arith.constant 0 : i32
    %dma_wait3A_85 = arith.constant 0 : i32
    %dma_wait3A_86 = tpu.memref_slice %arg5[%dma_wait3A_84, %dma_wait3A_85] : memref<204800x128xf32, #tpu.memory_space<hbm>> -> memref<72x128xf32, #tpu.memory_space<hbm>>
    %dma_wait3A_87 = arith.constant 128 : i32
    %dma_wait3A_88 = arith.constant 0 : i32
    %dma_wait3A_89 = tpu.memref_slice %arg8[%dma_wait3A_87, %dma_wait3A_88] : memref<200x128xf32, #tpu.memory_space<vmem>> -> memref<72x128xf32, #tpu.memory_space<vmem>>
    tpu.wait_dma2 semaphore(%arg20 : memref<!tpu.dma_semaphore, #tpu.memory_space<semaphore_mem>>) src(%dma_wait3A_89 : memref<72x128xf32, #tpu.memory_space<vmem>>) dst(%dma_wait3A_86 : memref<72x128xf32, #tpu.memory_space<hbm>>)
    %dma_wait3A_90 = arith.constant 0 : i32
    %dma_wait3A_91 = arith.constant 0 : i32
    %dma_wait3A_92 = tpu.memref_slice %arg9[%dma_wait3A_90, %dma_wait3A_91] : memref<200x128xf32, #tpu.memory_space<vmem>> -> memref<128x128xf32, #tpu.memory_space<vmem>>
    %dma_wait3A_93 = arith.constant 0 : i32
    %dma_wait3A_94 = arith.constant 0 : i32
    %dma_wait3A_95 = tpu.memref_slice %arg5[%dma_wait3A_93, %dma_wait3A_94] : memref<204800x128xf32, #tpu.memory_space<hbm>> -> memref<128x128xf32, #tpu.memory_space<hbm>>
    %dma_wait3A_96 = arith.constant 0 : i32
    %dma_wait3A_97 = arith.constant 0 : i32
    %dma_wait3A_98 = tpu.memref_slice %arg5[%dma_wait3A_96, %dma_wait3A_97] : memref<204800x128xf32, #tpu.memory_space<hbm>> -> memref<128x128xf32, #tpu.memory_space<hbm>>
    %dma_wait3A_99 = arith.constant 0 : i32
    %dma_wait3A_100 = arith.constant 0 : i32
    %dma_wait3A_101 = tpu.memref_slice %arg9[%dma_wait3A_99, %dma_wait3A_100] : memref<200x128xf32, #tpu.memory_space<vmem>> -> memref<128x128xf32, #tpu.memory_space<vmem>>
    tpu.wait_dma2 semaphore(%arg21 : memref<!tpu.dma_semaphore, #tpu.memory_space<semaphore_mem>>) src(%dma_wait3A_101 : memref<128x128xf32, #tpu.memory_space<vmem>>) dst(%dma_wait3A_98 : memref<128x128xf32, #tpu.memory_space<hbm>>)
    %dma_wait3A_102 = arith.constant 128 : i32
    %dma_wait3A_103 = arith.constant 0 : i32
    %dma_wait3A_104 = tpu.memref_slice %arg9[%dma_wait3A_102, %dma_wait3A_103] : memref<200x128xf32, #tpu.memory_space<vmem>> -> memref<72x128xf32, #tpu.memory_space<vmem>>
    %dma_wait3A_105 = arith.constant 0 : i32
    %dma_wait3A_106 = arith.constant 0 : i32
    %dma_wait3A_107 = tpu.memref_slice %arg5[%dma_wait3A_105, %dma_wait3A_106] : memref<204800x128xf32, #tpu.memory_space<hbm>> -> memref<72x128xf32, #tpu.memory_space<hbm>>
    %dma_wait3A_108 = arith.constant 0 : i32
    %dma_wait3A_109 = arith.constant 0 : i32
    %dma_wait3A_110 = tpu.memref_slice %arg5[%dma_wait3A_108, %dma_wait3A_109] : memref<204800x128xf32, #tpu.memory_space<hbm>> -> memref<72x128xf32, #tpu.memory_space<hbm>>
    %dma_wait3A_111 = arith.constant 128 : i32
    %dma_wait3A_112 = arith.constant 0 : i32
    %dma_wait3A_113 = tpu.memref_slice %arg9[%dma_wait3A_111, %dma_wait3A_112] : memref<200x128xf32, #tpu.memory_space<vmem>> -> memref<72x128xf32, #tpu.memory_space<vmem>>
    tpu.wait_dma2 semaphore(%arg21 : memref<!tpu.dma_semaphore, #tpu.memory_space<semaphore_mem>>) src(%dma_wait3A_113 : memref<72x128xf32, #tpu.memory_space<vmem>>) dst(%dma_wait3A_110 : memref<72x128xf32, #tpu.memory_space<hbm>>)
    %dma_wait3A_114 = arith.constant 0 : i32
    %dma_wait3A_115 = arith.constant 0 : i32
    %dma_wait3A_116 = tpu.memref_slice %arg10[%dma_wait3A_114, %dma_wait3A_115] : memref<200x128xf32, #tpu.memory_space<vmem>> -> memref<128x128xf32, #tpu.memory_space<vmem>>
    %dma_wait3A_117 = arith.constant 0 : i32
    %dma_wait3A_118 = arith.constant 0 : i32
    %dma_wait3A_119 = tpu.memref_slice %arg5[%dma_wait3A_117, %dma_wait3A_118] : memref<204800x128xf32, #tpu.memory_space<hbm>> -> memref<128x128xf32, #tpu.memory_space<hbm>>
    %dma_wait3A_120 = arith.constant 0 : i32
    %dma_wait3A_121 = arith.constant 0 : i32
    %dma_wait3A_122 = tpu.memref_slice %arg5[%dma_wait3A_120, %dma_wait3A_121] : memref<204800x128xf32, #tpu.memory_space<hbm>> -> memref<128x128xf32, #tpu.memory_space<hbm>>
    %dma_wait3A_123 = arith.constant 0 : i32
    %dma_wait3A_124 = arith.constant 0 : i32
    %dma_wait3A_125 = tpu.memref_slice %arg10[%dma_wait3A_123, %dma_wait3A_124] : memref<200x128xf32, #tpu.memory_space<vmem>> -> memref<128x128xf32, #tpu.memory_space<vmem>>
    tpu.wait_dma2 semaphore(%arg22 : memref<!tpu.dma_semaphore, #tpu.memory_space<semaphore_mem>>) src(%dma_wait3A_125 : memref<128x128xf32, #tpu.memory_space<vmem>>) dst(%dma_wait3A_122 : memref<128x128xf32, #tpu.memory_space<hbm>>)
    %dma_wait3A_126 = arith.constant 128 : i32
    %dma_wait3A_127 = arith.constant 0 : i32
    %dma_wait3A_128 = tpu.memref_slice %arg10[%dma_wait3A_126, %dma_wait3A_127] : memref<200x128xf32, #tpu.memory_space<vmem>> -> memref<72x128xf32, #tpu.memory_space<vmem>>
    %dma_wait3A_129 = arith.constant 0 : i32
    %dma_wait3A_130 = arith.constant 0 : i32
    %dma_wait3A_131 = tpu.memref_slice %arg5[%dma_wait3A_129, %dma_wait3A_130] : memref<204800x128xf32, #tpu.memory_space<hbm>> -> memref<72x128xf32, #tpu.memory_space<hbm>>
    %dma_wait3A_132 = arith.constant 0 : i32
    %dma_wait3A_133 = arith.constant 0 : i32
    %dma_wait3A_134 = tpu.memref_slice %arg5[%dma_wait3A_132, %dma_wait3A_133] : memref<204800x128xf32, #tpu.memory_space<hbm>> -> memref<72x128xf32, #tpu.memory_space<hbm>>
    %dma_wait3A_135 = arith.constant 128 : i32
    %dma_wait3A_136 = arith.constant 0 : i32
    %dma_wait3A_137 = tpu.memref_slice %arg10[%dma_wait3A_135, %dma_wait3A_136] : memref<200x128xf32, #tpu.memory_space<vmem>> -> memref<72x128xf32, #tpu.memory_space<vmem>>
    tpu.wait_dma2 semaphore(%arg22 : memref<!tpu.dma_semaphore, #tpu.memory_space<semaphore_mem>>) src(%dma_wait3A_137 : memref<72x128xf32, #tpu.memory_space<vmem>>) dst(%dma_wait3A_134 : memref<72x128xf32, #tpu.memory_space<hbm>>)
    %dma_wait3A_138 = arith.constant 0 : i32
    %dma_wait3A_139 = arith.constant 0 : i32
    %dma_wait3A_140 = tpu.memref_slice %arg11[%dma_wait3A_138, %dma_wait3A_139] : memref<200x128xf32, #tpu.memory_space<vmem>> -> memref<128x128xf32, #tpu.memory_space<vmem>>
    %dma_wait3A_141 = arith.constant 0 : i32
    %dma_wait3A_142 = arith.constant 0 : i32
    %dma_wait3A_143 = tpu.memref_slice %arg5[%dma_wait3A_141, %dma_wait3A_142] : memref<204800x128xf32, #tpu.memory_space<hbm>> -> memref<128x128xf32, #tpu.memory_space<hbm>>
    %dma_wait3A_144 = arith.constant 0 : i32
    %dma_wait3A_145 = arith.constant 0 : i32
    %dma_wait3A_146 = tpu.memref_slice %arg5[%dma_wait3A_144, %dma_wait3A_145] : memref<204800x128xf32, #tpu.memory_space<hbm>> -> memref<128x128xf32, #tpu.memory_space<hbm>>
    %dma_wait3A_147 = arith.constant 0 : i32
    %dma_wait3A_148 = arith.constant 0 : i32
    %dma_wait3A_149 = tpu.memref_slice %arg11[%dma_wait3A_147, %dma_wait3A_148] : memref<200x128xf32, #tpu.memory_space<vmem>> -> memref<128x128xf32, #tpu.memory_space<vmem>>
    tpu.wait_dma2 semaphore(%arg23 : memref<!tpu.dma_semaphore, #tpu.memory_space<semaphore_mem>>) src(%dma_wait3A_149 : memref<128x128xf32, #tpu.memory_space<vmem>>) dst(%dma_wait3A_146 : memref<128x128xf32, #tpu.memory_space<hbm>>)
    %dma_wait3A_150 = arith.constant 128 : i32
    %dma_wait3A_151 = arith.constant 0 : i32
    %dma_wait3A_152 = tpu.memref_slice %arg11[%dma_wait3A_150, %dma_wait3A_151] : memref<200x128xf32, #tpu.memory_space<vmem>> -> memref<72x128xf32, #tpu.memory_space<vmem>>
    %dma_wait3A_153 = arith.constant 0 : i32
    %dma_wait3A_154 = arith.constant 0 : i32
    %dma_wait3A_155 = tpu.memref_slice %arg5[%dma_wait3A_153, %dma_wait3A_154] : memref<204800x128xf32, #tpu.memory_space<hbm>> -> memref<72x128xf32, #tpu.memory_space<hbm>>
    %dma_wait3A_156 = arith.constant 0 : i32
    %dma_wait3A_157 = arith.constant 0 : i32
    %dma_wait3A_158 = tpu.memref_slice %arg5[%dma_wait3A_156, %dma_wait3A_157] : memref<204800x128xf32, #tpu.memory_space<hbm>> -> memref<72x128xf32, #tpu.memory_space<hbm>>
    %dma_wait3A_159 = arith.constant 128 : i32
    %dma_wait3A_160 = arith.constant 0 : i32
    %dma_wait3A_161 = tpu.memref_slice %arg11[%dma_wait3A_159, %dma_wait3A_160] : memref<200x128xf32, #tpu.memory_space<vmem>> -> memref<72x128xf32, #tpu.memory_space<vmem>>
    tpu.wait_dma2 semaphore(%arg23 : memref<!tpu.dma_semaphore, #tpu.memory_space<semaphore_mem>>) src(%dma_wait3A_161 : memref<72x128xf32, #tpu.memory_space<vmem>>) dst(%dma_wait3A_158 : memref<72x128xf32, #tpu.memory_space<hbm>>)
    return
  }
}

module attributes {stable_mosaic.version = 14 : i64} {
  func.func @body(%arg0: i32, %arg1: memref<512x128xf32, #tpu.memory_space<vmem>>, %arg2: memref<24x128xf32, #tpu.memory_space<vmem>>, %arg3: memref<512x24x128xf32, #tpu.memory_space<vmem>>) attributes {dimension_semantics = [#tpu.dimension_semantics<arbitrary>], iteration_bounds = array<i64: 2>, scalar_prefetch = 0 : i64, scratch_operands = 0 : i64, tpu.core_type = #tpu.core_type<tc>, window_params = [{transform_indices = @transform_0, window_bounds = array<i64: 512, 128>}, {pipeline_mode = #tpu.pipeline_mode<synchronous>, transform_indices = @transform_1, window_bounds = array<i64: 24, 128>}, {transform_indices = @transform_2, window_bounds = array<i64: 512, 24, 128>}]} {
    %get3A = arith.constant 0 : index
    %get3A_0 = arith.constant 0 : index
    %get3A_1 = vector.load %arg1[%get3A, %get3A_0] : memref<512x128xf32, #tpu.memory_space<vmem>>, vector<512x128xf32>
    %broadcast_in_dim3A = vector.shape_cast %get3A_1 : vector<512x128xf32> to vector<512x1x128xf32>
    %get3A_2 = arith.constant 0 : index
    %get3A_3 = arith.constant 0 : index
    %get3A_4 = vector.load %arg2[%get3A_2, %get3A_3] : memref<24x128xf32, #tpu.memory_space<vmem>>, vector<24x128xf32>
    %broadcast_in_dim3A_5 = vector.shape_cast %get3A_4 : vector<24x128xf32> to vector<1x24x128xf32>
    %add3A = vector.broadcast %broadcast_in_dim3A : vector<512x1x128xf32> to vector<512x24x128xf32>
    %add3A_6 = vector.broadcast %broadcast_in_dim3A_5 : vector<1x24x128xf32> to vector<512x24x128xf32>
    %add3A_7 = arith.addf %add3A, %add3A_6 : vector<512x24x128xf32>
    %swap3A = arith.constant 0 : index
    %swap3A_8 = arith.constant 0 : index
    %swap3A_9 = arith.constant 0 : index
    %swap3A_10 = vector.load %arg3[%swap3A, %swap3A_8, %swap3A_9] : memref<512x24x128xf32, #tpu.memory_space<vmem>>, vector<512x24x128xf32>
    tpu.vector_store %arg3[%swap3A, %swap3A_8, %swap3A_9], %add3A_7 {strides = array<i32>} : memref<512x24x128xf32, #tpu.memory_space<vmem>>, vector<512x24x128xf32>,
    return
  }
  func.func @transform_0(%arg0: i32) -> (i32, i32) {
    %c0_i32 = arith.constant 0 : i32
    %c0_i32_0 = arith.constant 0 : i32
    return %arg0, %c0_i32 : i32, i32
  }
  func.func @transform_1(%arg0: i32) -> (i32, i32) {
    %c0_i32 = arith.constant 0 : i32
    %c0_i32_0 = arith.constant 0 : i32
    %c0_i32_1 = arith.constant 0 : i32
    return %c0_i32, %c0_i32_0 : i32, i32
  }
  func.func @transform_2(%arg0: i32) -> (i32, i32, i32) {
    %c0_i32 = arith.constant 0 : i32
    %c0_i32_0 = arith.constant 0 : i32
    %c0_i32_1 = arith.constant 0 : i32
    return %arg0, %c0_i32, %c0_i32_0 : i32, i32, i32
  }
}

</mosaic_0001>

<sc_bundles>
// kernel: kernel.4.cloned.1.call-start
scs
__scs_entry_jumppad:
0x0: {  	(pc) =	sbr.rel $0x88, $3  }
0x1: {  	(tag) =	ssettag $0x0;
	lr =	simm.s32 $0x1  }
0x2: {  	[smem:$0x3F9D] =	sst lr;
	_ =	strace $0xD0000000  }
0x3: {  	_ = 	snop  }
0x4: {  	_ = 	snop  }
0x5: {  	_ = 	snop  }
0x6: {  	_ = 	snop  }
0x7: {  	_ = 	snop  }
__scs_overlays_trampoline_lowered:
0x8: {  	[smem:$0x3FAC] =	sst s0  }
0x9: {  	[smem:$0x3FAD] =	sst s1  }
0xa: {  	[smem:$0x3FAE] =	sst s2  }
0xb: {  	[smem:$0x3FAF] =	sst s3  }
0xc: {  	[smem:$0x3FB0] =	sst s4  }
0xd: {  	[smem:$0x3FB1] =	sst s5  }
0xe: {  	[smem:$0x3FB2] =	sst s6  }
0xf: {  	[smem:$0x3FB3] =	sst s7  }
0x10: {  	[smem:$0x3FB4] =	sst s8  }
0x11: {  	[smem:$0x3FB5] =	sst s9;
	s0 =	simm.s32 @!p0 $0x0  }
0x12: {  	s1 =	sld [smem:$0x3F9B];
	s0 =	simm.s32 @p0 $0x1  }
0x13: {  	[smem:$0x3FB6] =	sst s0;
	s0 =	simm.s32 @!p1 $0x0  }
0x14: {  	s2 =	sld [smem:$0x3F9A];
	s0 =	simm.s32 @p1 $0x1  }
0x15: {  	[smem:$0x3FB7] =	sst s0;
	s0 =	simm.s32 @!p2 $0x0  }
0x16: {  	s3 =	sld [smem:$0x3FDB];
	s0 =	simm.s32 @p2 $0x1  }
0x17: {  	s4 =	simm.s32 $0x1BF5;
	[smem:$0x3FB9] =	sst s0  }
0x18: {  	s0 =	sld [smem:$0x3F9C];
	_ =	swait.ge [sflag:s4], $0x0  }
0x19: {  	s7 =	sld [smem:$0x3F9D]  }
0x1a: {  	s8 =	sadd.s32 $0xFFFFE003, lr  }
0x1b: {  	s9 =	sadd.s32 $0xFFFFFEF7, lr;
	s5 =	simm.s32 $0xFFFFFFFF;
	p2 =	slt.u32 s8, $0xFFFFF086  }
0x1c: {  	p1 =	slt.u32 s9, $0xF7A;
	s5 =	simm.s32 @!p2 $0x0  }
0x1d: {  	s5 =	simm.s32 @p1 $0x1;
	p0 =	seq.s32 s7, s2  }
0x1e: {  	s7 =	smul.u32 @!p0 $0xF7A, s2;
	p2 =	seq.s32 @!p0 s5, $0x0  }
0x1f: {  	s9 =	smul.u32 $0xF7A, s1;
	s8 =	simm.s32 @!p0 $0x1BF5;
	p2 =	por !p2, p0  }
0x20: {  	[sflag:s8] =	ssyncset.s32 @!p0 $0xFFFFF086;
	s6 =	sadd.s32 @!p0 s3, s7;
	s7 =	simm.s32 @!p0 $0x108  }
0x21: {  	s3 =	sadd.s32 s3, s9;
	s6 =	sadd.s32 @!p0 $0x88, s6;
	s7 =	simm.s32 @p2 $0x1082  }
0x22: {  	[simem:s7], [sflag:s8] =	dma.local @!p0 [hbm:s6], $0xF7A  }
0x23: {  	s9 =	sor.u32 $0xD0000000, s2;
	s6 =	simm.s32 $0x108;
	_ =	swait.ge @!p0 [sflag:s8], $0x0  }
0x24: {  	s3 =	sadd.s32 $0x88, s3;
	s6 =	simm.s32 @!p1 $0x1082;
	[sflag:s4] =	ssyncset.s32 $0xFFFFF086  }
0x25: {  	[simem:s6], [sflag:s4] =	dma.local [hbm:s3], $0xF7A  }
0x26: {  	[smem:$0x3F9D] =	sst s1;
	(tag) =	ssettag s2;
	_ =	strace s9  }
0x27: {  	s1 =	sld [smem:$0x3FAD]  }
0x28: {  	s2 =	sld [smem:$0x3FAE]  }
0x29: {  	s4 =	sld [smem:$0x3FB0]  }
0x2a: {  	p0 =	seq.s32 s5, $0x0;
	s5 =	sld [smem:$0x3FB1]  }
0x2b: {  	s6 =	sld [smem:$0x3FB2]  }
0x2c: {  	s7 =	sld [smem:$0x3FB3]  }
0x2d: {  	s3 =	simm.s32 $0x108;
	s8 =	sld [smem:$0x3FB4]  }
0x2e: {  	s3 =	simm.s32 @!p0 $0x1082;
	s9 =	sld [smem:$0x3FB5]  }
0x2f: {  	lr =	sadd.s32 s0, s3;
	s0 =	sld [smem:$0x3FAC]  }
0x30: {  	s3 =	sld [smem:$0x3FAF]  }
0x31: {  	[smem:$0x3FB8] =	sst s10  }
0x32: {  	s10 =	sld [smem:$0x3FB6];
	_ =	sdelay $0x3  }
0x33: {  	p0 =	seq.s32 s10, $0x1;
	s10 =	sld [smem:$0x3FB8];
	_ =	sdelay $0x3  }
0x34: {  	[smem:$0x3FB8] =	sst s10  }
0x35: {  	s10 =	sld [smem:$0x3FB7];
	_ =	sdelay $0x3  }
0x36: {  	p1 =	seq.s32 s10, $0x1;
	s10 =	sld [smem:$0x3FB8];
	_ =	sdelay $0x3  }
0x37: {  	[smem:$0x3FB8] =	sst s10  }
0x38: {  	s10 =	sld [smem:$0x3FB9]  }
0x39: {  	_ = 	snop;
	(pc) =	sbr.ind lr, $3  }
0x3a: {  	_ = 	snop  }
0x3b: {  	_ = 	snop  }
0x3c: {  	p2 =	seq.s32 s10, $0x1;
	s10 =	sld [smem:$0x3FB8]  }
0x3d: {  	_ =	shalt  }
0x3e: {  	_ =	shalt  }
0x3f: {  	_ =	shalt  }
0x40: {  	_ =	shalt  }
0x41: {  	_ =	shalt  }
0x42: {  	_ =	shalt  }
0x43: {  	_ =	shalt  }
0x44: {  	_ =	shalt  }
0x45: {  	_ =	shalt  }
0x46: {  	_ =	shalt  }
0x47: {  	_ =	shalt  }
0x48: {  	_ =	shalt  }
0x49: {  	_ =	shalt  }
0x4a: {  	_ =	shalt  }
0x4b: {  	_ =	shalt  }
0x4c: {  	_ =	shalt  }
0x4d: {  	_ =	shalt  }
0x4e: {  	_ =	shalt  }
0x4f: {  	_ =	shalt  }
0x50: {  	_ =	shalt  }
0x51: {  	_ =	shalt  }
0x52: {  	_ =	shalt  }
0x53: {  	_ =	shalt  }
0x54: {  	_ =	shalt  }
0x55: {  	_ =	shalt  }
0x56: {  	_ =	shalt  }
0x57: {  	_ =	shalt  }
0x58: {  	_ =	shalt  }
0x59: {  	_ =	shalt  }
0x5a: {  	_ =	shalt  }
0x5b: {  	_ =	shalt  }
0x5c: {  	_ =	shalt  }
0x5d: {  	_ =	shalt  }
0x5e: {  	_ =	shalt  }
0x5f: {  	_ =	shalt  }
0x60: {  	_ =	shalt  }
0x61: {  	_ =	shalt  }
0x62: {  	_ =	shalt  }
0x63: {  	_ =	shalt  }
0x64: {  	_ =	shalt  }
0x65: {  	_ =	shalt  }
0x66: {  	_ =	shalt  }
0x67: {  	_ =	shalt  }
0x68: {  	_ =	shalt  }
0x69: {  	_ =	shalt  }
0x6a: {  	_ =	shalt  }
0x6b: {  	_ =	shalt  }
0x6c: {  	_ =	shalt  }
0x6d: {  	_ =	shalt  }
0x6e: {  	_ =	shalt  }
0x6f: {  	_ =	shalt  }
0x70: {  	_ =	shalt  }
0x71: {  	_ =	shalt  }
0x72: {  	_ =	shalt  }
0x73: {  	_ =	shalt  }
0x74: {  	_ =	shalt  }
0x75: {  	_ =	shalt  }
0x76: {  	_ =	shalt  }
0x77: {  	_ =	shalt  }
0x78: {  	_ =	shalt  }
0x79: {  	_ =	shalt  }
0x7a: {  	_ =	shalt  }
0x7b: {  	_ =	shalt  }
0x7c: {  	_ =	shalt  }
0x7d: {  	_ =	shalt  }
0x7e: {  	_ =	shalt  }
0x7f: {  	_ =	shalt  }
0x80: {  	_ =	shalt  }
0x81: {  	_ =	shalt  }
0x82: {  	_ =	shalt  }
0x83: {  	_ =	shalt  }
0x84: {  	_ =	shalt  }
0x85: {  	_ =	shalt  }
0x86: {  	_ =	shalt  }
0x87: {  	_ =	shalt  }
.Lfunc_end0:
.L_simem_size_0:
called_computation_lowered:
.L_overlay_start_0:
0x88: {  	s2 =	sld [smem:$0x3FD9]  }
0x89: {  	s3 =	sld [smem:$0x3FFE];
	_ =	sdelay $0x1  }
0x8a: {  	s1 =	srdreg.scid  }
0x8b: {  	s0 =	sand.u32 $0x1, s1  }
0x8c: {  	s17 =	sshll.u32 s0, $0xA;
	s2 =	sadd.s32 s3, s2  }
0x8d: {  	s2 =	sadd.s32 s2, s17  }
0x8e: {  	[smem:$0x3FC4] =	sst s2  }
0x8f: {  	_ = 	snop  }
0x90: {  	s2 =	sld [smem:$0x3FD0];
	(tm) =	ssettm $0x1  }
0x91: {  	s18 =	sld [smem:$0x3FFB];
	_ =	sdelay $0x3  }
0x92: {  	_ =	strace s18  }
0x93: {  	s3 =	sld [smem:$0x3FFC];
	_ =	sdelay $0x3  }
0x94: {  	_ =	strace s3  }
0x95: {  	s3 =	sld [smem:$0x3FFD];
	_ =	sdelay $0x3  }
0x96: {  	_ =	strace s3  }
0x97: {  	_ =	strace $0x8FFFFFFF  }
0x98: {  	s19 =	sld [smem:$0x3FDB];
	_ =	sdelay $0x1  }
0x99: {  	s4 =	simm.s32 $_scs_section_size  }
0x9a: {  	s5 =	simm.s32 $_size__tile_overlayer_lowered;
	s6 =	simm.s32 $_tile_overlayer_lowered  }
0x9b: {  	s22 =	simm.s32 $0x1BFF;
	s21 =	sshll.u32 s6, $0x1;
	s3 =	sadd.s32 s4, s19  }
0x9c: {  	s7 =	simm.s32 $0x0;
	s20 =	sshll.u32 s5, $0x1;
	s5 =	sadd.s32 s21, s3  }
0x9d: {  	[timem:s7], [sflag:s22] =	dma.local [hbm:s5], s20  }
0x9e: {  	_ =	swait.ge [sflag:s22], s20  }
0x9f: {  	s4 =	ssub.s32 $0x0, s20;
	[sflag:s22] =	ssyncset.done $0x0  }
0xa0: {  	[sflag:s22] =	ssyncadd.s32 s4;
	_ =	sdelay $0x1  }
0xa1: {  	s23 =	simm.s32 $0x1B8B  }
0xa2: {  	_ =	swait.ge [sflag:s23], $0x1  }
0xa3: {  	[sflag:s23] =	ssyncset.done $0x0  }
0xa4: {  	s25 =	simm.s32 $0x1B8E;
	s24 =	sld [smem:$0x3FFE];
	[sflag:s23] =	ssyncadd.s32 $0xFFFFFFFF  }
0xa5: {  	s26 =	simm.s32 $execute0_lowered;
	[smem:$0x3FD2] =	sst s25  }
0xa6: {  	s5 =	sshll.u32 s26, $0x1;
	_ =	strace $0x80000046;
	[dreg:$0x1] =	wrdreg $0xFFFFFFFF  }
0xa7: {  	s28 =	simm.s32 $_size_execute0_lowered;
	s3 =	sadd.s32 s3, s5;
	[dreg:$0x0] =	wrdreg $0x0  }
0xa8: {  	s5 =	sshll.u32 s28, $0x1;
	[dreg:$0x2] =	wrdreg s3  }
0xa9: {  	[dreg:$0x3] =	wrdreg s5  }
0xaa: {  	[dreg:$0x4] =	wrdreg $0xC0  }
0xab: {  	_ =	task [dreg:s7], $0x5FFFF  }
0xac: {  	[dreg:$0x1] =	wrdreg $0xFFFFFFFF  }
0xad: {  	[dreg:$0x0] =	wrdreg $0x60  }
0xae: {  	[dreg:$0x2] =	wrdreg s24  }
0xaf: {  	[dreg:$0x3] =	wrdreg s2  }
0xb0: {  	[dreg:$0x4] =	wrdreg $0x9  }
0xb1: {  	_ =	task.clear_ibuf [dreg:s7], $0x5FFFF;
	_ =	strace $0x90000046  }
0xb2: {  	s29 =	simm.s32 $0x9;
	_ =	strace $0x80000048  }
0xb3: {  	_ =	swait.ge [sflag:s29], $0x1  }
0xb4: {  	[sflag:s29] =	ssyncadd.s32 $0xFFFFFFFF  }
0xb5: {  	_ =	strace $0x90000048  }
0xb6: {  	_ =	sfence  }
0xb7: {  	s30 =	sld [smem:$0x0];
	_ =	sdelay $0x2  }
0xb8: {  	s31 =	sshll.u32 s1, $0xD;
	s1 =	sshrl.u32 s1, $0x2  }
0xb9: {  	s3 =	sand.u32 $0x4000, s31;
	s1 =	sadd.s32 s1, s30  }
0xba: {  	s0 =	sor.u32 s3, s0;
	s1 =	sshll.u32 s1, $0x11  }
0xbb: {  	s0 =	sor.u32 s1, s0  }
0xbc: {  	s0 =	sadd.s32 $0x8F2B, s0  }
0xbd: {  	[sflag:s0] =	ssyncadd.remote.s32 $0x1  }
0xbe: {  	_ =	sfence.sel $0xFFFF  }
0xbf: {  	[dreg:$0x0] =	wrdreg $0xFFFFFFFF;
	(pc) =	sbr.abs _section_cstart, $3  }
0xc0: {  	[dreg:$0x1] =	wrdreg $0xFFFFFFFF  }
0xc1: {  	_ =	task.clear_ibuf [dreg:s7], $0x2FFFF;
	_ =	strace $0x9FFFFFFF  }
0xc2: {  	(tm) =	ssettm $0x7FFFFFFF  }
0xc3: {  	_ =	shalt  }
tec
execute0_lowered:
.L_overlay_start_1:
0x0: {  	(tag) =	ssettag $0x1  }
0x1: {  	s0 =	rddreg [dreg:$0x0]  }
0x2: {  	s1 =	srdreg.scid;
	s3 =	simm.s32 $0x0;
	s7 =	stileid.u32  }
0x3: {  	s28 =	simm.s32 $0x3;
	s29 =	simm.s32 $0x7;
	s30 =	simm.s32 $0x4  }
0x4: {  	s31 =	simm.s32 $0x8;
	s14 =	simm.s32 $0x80;
	s16 =	simm.s32 $0x2000  }
0x5: {  	s1 =	sand.u32 $0x1, s1;
	s2 =	sshll.u32 s7, $0xA;
	s5 =	smul.u32 $0x190000, s7  }
0x6: {  	[smem:$0x7FF] =	sst s3;
	s18 =	smul.u32 $0x32000, s7;
	s4 =	sshll.u32 s1, $0x9  }
0x7: {  	s6 =	smul.u32 $0xC8000, s1;
	_ =	strace $0x80000047;
	s17 =	ssub.s32 $0x2, s1  }
0x8: {  	s1 =	smul.u32 $0x19000, s1;
	s2 =	sor.u32 s4, s2;
	s4 =	sadd.s32 $0x8A00, s0  }
0x9: {  	s19 =	sshrl.u32 s17, $0x1;
	s2 =	sadd.s32 s2, s0;
	s5 =	sadd.s32 s6, s5  }
0xa: {  	s0 =	ssub.s32 s17, s19;
	s1 =	sadd.s32 s1, s18;
	s18 =	simm.s32 $0x48  }
0xb: {  	s8 =	sadd.s32 $0x10800, s5;
	s20 =	sadd.s32 $0xA00, s2;
	[dreg:$0x4] =	wrdreg s1  }
0xc: {  	s22 =	sadd.s32 $0xA400, s5;
	s2 =	sadd.s32 $0x4A00, s2;
	[dreg:$0x8] =	wrdreg s20  }
0xd: {  	s24 =	sor.u32 $0x4000, s5;
	s0 =	smax.u32 s0, $0x1;
	[dreg:$0x9] =	wrdreg s2  }
0xe: {  	s5 =	sadd.s32 $0x16C00, s5;
	s21 =	sshrl.u32 s8, $0x3;
	[dreg:$0xa] =	wrdreg s0  }
0xf: {  	s23 =	sshrl.u32 s22, $0x3;
	s25 =	sshrl.u32 s24, $0x3;
	[dreg:$0x3] =	wrdreg s21  }
0x10: {  	s26 =	sshrl.u32 s5, $0x3;
	s22 =	simm.s32 $0x18C00;
	[dreg:$0x5] =	wrdreg s23  }
0x11: {  	s24 =	simm.s32 $0x5;
	s2 =	simm.s32 $0x0;
	[dreg:$0x6] =	wrdreg s25  }
0x12: {  	s20 =	simm.s32 $0x6000;
	[dreg:$0x7] =	wrdreg s26;
	s21 =	simm.s32 $0x14C00  }
0x13: {  	s23 =	simm.s32 $0x1;
	s25 =	simm.s32 $0x2;
	s26 =	simm.s32 $0x6  }
.LBB2_1:
0x14: {  	[dreg:$0xb] =	wrdreg s2  }
0x15: {  	s0 =	rddreg [dreg:$0x8];
	s1 =	simm.s32 $0xD  }
0x16: {  	[tilespmem:s3], [sflag:$0xD] =	stream.linear.gather [hbm4b:s0+s3], $0x1000, $0x38;
	[tilespmem:$0x1B000] =	vst v63  }
0x17: {  	_ =	swait.ge [sflag:s1], $0x1000  }
0x18: {  	[sflag:s1] =	ssyncset.done $0x0  }
0x19: {  	s19 =	simm.s32 $0x1000;
	s17 =	rddreg [dreg:$0x9];
	[sflag:s1] =	ssyncadd.s32 $0xFFFFF000  }
0x1a: {  	[tilespmem:s19], [sflag:$0xD] =	stream.linear.gather [hbm4b:s17+s3], $0x1000, $0x38;
	[tilespmem:$0x1B000] =	vst v63  }
0x1b: {  	_ =	swait.ge [sflag:s1], $0x1000  }
0x1c: {  	[sflag:s1] =	ssyncset.done $0x0  }
0x1d: {  	s8 =	simm.s32 $0x80;
	s5 =	simm.s32 $0x2000;
	[sflag:s1] =	ssyncadd.s32 $0xFFFFF000  }
0x1e: {  	[tilespmem:s5], [sflag:$0x1] =	stream.indirect.gather [hbm4b:s4+s8], $0x80, s3, s8, $0xb8;
	[tilespmem:$0x1B000] =	vst v63  }
0x1f: {  	s6 =	simm.s32 $0x48;
	s7 =	simm.s32 $0x6000  }
0x20: {  	[tilespmem:s7], [sflag:$0x5] =	stream.indirect.gather [hbm4b:s4+s6], $0x80, s19, s6, $0xb8;
	[tilespmem:$0x1B000] =	vst v63  }
0x21: {  	s9 =	simm.s32 $0x8400  }
0x22: {  	[tilespmem:s9], [sflag:$0x2] =	stream.indirect.gather [hbm4b:s4+s8], $0x80, s8, s8, $0xb8;
	[tilespmem:$0x1B000] =	vst v63  }
0x23: {  	s13 =	simm.s32 $0x1080;
	s10 =	simm.s32 $0xC400;
	p0 =	por $0x1, $0x1  }
0x24: {  	[tilespmem:s10], [sflag:$0x6] =	stream.indirect.gather [hbm4b:s4+s6], $0x80, s13, s6, $0xb8;
	[tilespmem:$0x1B000] =	vst v63  }
0x25: {  	s15 =	simm.s32 $0x100;
	s11 =	simm.s32 $0xE800;
	p0 =	por p0, p0  }
0x26: {  	[tilespmem:s11], [sflag:$0x3] =	stream.indirect.gather [hbm4b:s4+s8], $0x80, s15, s8, $0xb8;
	[tilespmem:$0x1B000] =	vst v63  }
0x27: {  	s12 =	simm.s32 $0x12800;
	s0 =	simm.s32 @!p0 $0xC;
	s17 =	simm.s32 $0x1100  }
0x28: {  	[tilespmem:s12], [sflag:$0x7] =	stream.indirect.gather [hbm4b:s4+s6], $0x80, s17, s6, $0xb8;
	[tilespmem:$0x1B000] =	vst v63  }
0x29: {  	_ =	swait.ge @!p0 [sflag:s0], $0x4000  }
0x2a: {  	[sflag:s0] =	ssyncset.done @!p0 $0x0  }
0x2b: {  	[sflag:s0] =	ssyncadd.s32 @!p0 $0xFFFFC000  }
0x2c: {  	_ =	swait.ge @!p0 [sflag:s0], $0x2400  }
0x2d: {  	[sflag:s0] =	ssyncset.done @!p0 $0x0  }
0x2e: {  	s19 =	simm.s32 $0x180;
	[sflag:s0] =	ssyncadd.s32 @!p0 $0xFFFFDC00  }
0x2f: {  	[tilespmem:s21], [sflag:$0x4] =	stream.indirect.gather [hbm4b:s4+s8], $0x80, s19, s8, $0xb8;
	[tilespmem:$0x1B000] =	vst v63  }
0x30: {  	s1 =	simm.s32 $0x1180  }
0x31: {  	[tilespmem:s22], [sflag:$0x8] =	stream.indirect.gather [hbm4b:s4+s6], $0x80, s1, s6, $0xb8;
	[tilespmem:$0x1B000] =	vst v63  }
0x32: {  	_ =	swait.ge [sflag:s23], $0x4000  }
0x33: {  	[sflag:s23] =	ssyncset.done $0x0  }
0x34: {  	s2 =	rddreg [dreg:$0x4];
	[sflag:s23] =	ssyncadd.s32 $0xFFFFC000  }
0x35: {  	s8 =	rddreg [dreg:$0x1]  }
0x36: {  	s0 =	sadd.s32 s8, s2  }
0x37: {  	[hbm4b:s0+s3] =	stream.linear.scatter [tilespmem:s5], [sflag:$0x9], $0x4000, $0x38;
	[tilespmem:$0x1B000] =	vst v63  }
0x38: {  	_ =	swait.ge [sflag:s24], $0x2400  }
0x39: {  	s6 =	rddreg [dreg:$0x6];
	[sflag:s24] =	ssyncset.done $0x0  }
0x3a: {  	p0 =	por $0x0, $0x0;
	[sflag:s24] =	ssyncadd.s32 $0xFFFFDC00;
	s1 =	sadd.s32 s8, s6  }
0x3b: {  	[hbm4b:s1+s3] =	stream.linear.scatter [tilespmem:s7], [sflag:$0x9], $0x2400, $0x38;
	[tilespmem:$0x1B000] =	vst v63  }
0x3c: {  	s1 =	simm.s32 @!p0 $0x9  }
0x3d: {  	_ =	swait.ge @!p0 [sflag:s1], $0x4000  }
0x3e: {  	[sflag:s1] =	ssyncset.done @!p0 $0x0  }
0x3f: {  	[sflag:s1] =	ssyncadd.s32 @!p0 $0xFFFFC000  }
0x40: {  	_ =	swait.ge @!p0 [sflag:s1], $0x2400  }
0x41: {  	s2 =	simm.s32 @!p0 $0x200;
	[sflag:s1] =	ssyncset.done @!p0 $0x0  }
0x42: {  	s5 =	simm.s32 @!p0 $0x80;
	s6 =	simm.s32 @!p0 $0x2000;
	[sflag:s1] =	ssyncadd.s32 @!p0 $0xFFFFDC00  }
0x43: {  	[tilespmem:s6], [sflag:$0x1] =	stream.indirect.gather @!p0 [hbm4b:s4+s5], $0x80, s2, s5, $0xb8;
	[tilespmem:$0x1B000] =	vst v63  }
0x44: {  	s1 =	simm.s32 @!p0 $0x1200;
	s2 =	simm.s32 @!p0 $0x48;
	s6 =	simm.s32 @!p0 $0x6000  }
0x45: {  	[tilespmem:s6], [sflag:$0x5] =	stream.indirect.gather @!p0 [hbm4b:s4+s2], $0x80, s1, s2, $0xb8;
	[tilespmem:$0x1B000] =	vst v63  }
0x46: {  	_ =	swait.ge [sflag:s25], $0x4000  }
0x47: {  	[sflag:s25] =	ssyncset.done $0x0  }
0x48: {  	s13 =	sadd.s32 $0xC80, s0;
	[sflag:s25] =	ssyncadd.s32 $0xFFFFC000  }
0x49: {  	[hbm4b:s13+s3] =	stream.linear.scatter [tilespmem:s9], [sflag:$0xA], $0x4000, $0x38;
	[tilespmem:$0x1B000] =	vst v63  }
0x4a: {  	_ =	swait.ge [sflag:s26], $0x2400  }
0x4b: {  	s15 =	rddreg [dreg:$0x5];
	[sflag:s26] =	ssyncset.done $0x0  }
0x4c: {  	s6 =	simm.s32 @!p0 $0xA;
	[sflag:s26] =	ssyncadd.s32 $0xFFFFDC00;
	s1 =	sadd.s32 s8, s15  }
0x4d: {  	[hbm4b:s1+s3] =	stream.linear.scatter [tilespmem:s10], [sflag:$0xA], $0x2400, $0x38;
	[tilespmem:$0x1B000] =	vst v63  }
0x4e: {  	_ =	swait.ge @!p0 [sflag:s6], $0x4000  }
0x4f: {  	[sflag:s6] =	ssyncset.done @!p0 $0x0  }
0x50: {  	[sflag:s6] =	ssyncadd.s32 @!p0 $0xFFFFC000  }
0x51: {  	_ =	swait.ge @!p0 [sflag:s6], $0x2400  }
0x52: {  	[sflag:s6] =	ssyncset.done @!p0 $0x0  }
0x53: {  	s7 =	simm.s32 @!p0 $0x8400;
	s1 =	simm.s32 @!p0 $0x280;
	[sflag:s6] =	ssyncadd.s32 @!p0 $0xFFFFDC00  }
0x54: {  	[tilespmem:s7], [sflag:$0x2] =	stream.indirect.gather @!p0 [hbm4b:s4+s5], $0x80, s1, s5, $0xb8;
	[tilespmem:$0x1B000] =	vst v63  }
0x55: {  	s6 =	simm.s32 @!p0 $0xC400;
	s1 =	simm.s32 @!p0 $0x1280  }
0x56: {  	[tilespmem:s6], [sflag:$0x6] =	stream.indirect.gather @!p0 [hbm4b:s4+s2], $0x80, s1, s2, $0xb8;
	[tilespmem:$0x1B000] =	vst v63  }
0x57: {  	_ =	swait.ge [sflag:s28], $0x4000  }
0x58: {  	[sflag:s28] =	ssyncset.done $0x0  }
0x59: {  	s17 =	sadd.s32 $0x1900, s0;
	[sflag:s28] =	ssyncadd.s32 $0xFFFFC000  }
0x5a: {  	[hbm4b:s17+s3] =	stream.linear.scatter [tilespmem:s11], [sflag:$0xB], $0x4000, $0x38;
	[tilespmem:$0x1B000] =	vst v63  }
0x5b: {  	_ =	swait.ge [sflag:s29], $0x2400  }
0x5c: {  	s19 =	rddreg [dreg:$0x3];
	[sflag:s29] =	ssyncset.done $0x0  }
0x5d: {  	s6 =	simm.s32 @!p0 $0xB;
	[sflag:s29] =	ssyncadd.s32 $0xFFFFDC00;
	s1 =	sadd.s32 s8, s19  }
0x5e: {  	[hbm4b:s1+s3] =	stream.linear.scatter [tilespmem:s12], [sflag:$0xB], $0x2400, $0x38;
	[tilespmem:$0x1B000] =	vst v63  }
0x5f: {  	_ =	swait.ge @!p0 [sflag:s6], $0x4000  }
0x60: {  	[sflag:s6] =	ssyncset.done @!p0 $0x0  }
0x61: {  	[sflag:s6] =	ssyncadd.s32 @!p0 $0xFFFFC000  }
0x62: {  	_ =	swait.ge @!p0 [sflag:s6], $0x2400  }
0x63: {  	[sflag:s6] =	ssyncset.done @!p0 $0x0  }
0x64: {  	s7 =	simm.s32 @!p0 $0xE800;
	s1 =	simm.s32 @!p0 $0x300;
	[sflag:s6] =	ssyncadd.s32 @!p0 $0xFFFFDC00  }
0x65: {  	[tilespmem:s7], [sflag:$0x3] =	stream.indirect.gather @!p0 [hbm4b:s4+s5], $0x80, s1, s5, $0xb8;
	[tilespmem:$0x1B000] =	vst v63  }
0x66: {  	s1 =	simm.s32 @!p0 $0x1300;
	s5 =	simm.s32 @!p0 $0x12800  }
0x67: {  	[tilespmem:s5], [sflag:$0x7] =	stream.indirect.gather @!p0 [hbm4b:s4+s2], $0x80, s1, s2, $0xb8;
	[tilespmem:$0x1B000] =	vst v63  }
0x68: {  	_ =	swait.ge [sflag:s30], $0x4000  }
0x69: {  	p6 =	por $0x0, $0x0;
	[sflag:s30] =	ssyncset.done $0x0  }
0x6a: {  	s0 =	sadd.s32 $0x2580, s0;
	s9 =	simm.s32 $0x800;
	[sflag:s30] =	ssyncadd.s32 $0xFFFFC000  }
0x6b: {  	[hbm4b:s0+s3] =	stream.linear.scatter [tilespmem:s21], [sflag:$0xC], $0x4000, $0x38;
	[tilespmem:$0x1B000] =	vst v63  }
0x6c: {  	s6 =	simm.s32 $0x1000;
	p0 =	por p6, p6;
	_ =	swait.ge [sflag:s31], $0x2400  }
0x6d: {  	s5 =	sadd.s32 $0x3200, s8;
	s2 =	smov.u32 s8;
	[sflag:s31] =	ssyncset.done $0x0  }
0x6e: {  	s0 =	simm.s32 @!p0 $0xC;
	s1 =	rddreg [dreg:$0x7];
	[sflag:s31] =	ssyncadd.s32 $0xFFFFDC00  }
.LBB2_2:
0x6f: {  	s1 =	sadd.s32 s2, s1  }
0x70: {  	[hbm4b:s1+s3] =	stream.linear.scatter [tilespmem:s22], [sflag:$0xC], $0x2400, $0x38;
	[tilespmem:$0x1B000] =	vst v63  }
0x71: {  	_ =	swait.ge @!p0 [sflag:s0], $0x4000  }
0x72: {  	[sflag:s0] =	ssyncset.done @!p0 $0x0  }
0x73: {  	[sflag:s0] =	ssyncadd.s32 @!p0 $0xFFFFC000  }
0x74: {  	_ =	swait.ge @!p0 [sflag:s0], $0x2400  }
0x75: {  	s10 =	sshra.s32 s9, $0x2;
	[sflag:s0] =	ssyncset.done @!p0 $0x0  }
0x76: {  	s11 =	sadd.s32 $0x180, s10;
	[sflag:s0] =	ssyncadd.s32 @!p0 $0xFFFFDC00  }
0x77: {  	[tilespmem:s21], [sflag:$0x4] =	stream.indirect.gather [hbm4b:s4+s14], $0x80, s11, s14, $0xb8;
	[tilespmem:$0x1B000] =	vst v63  }
0x78: {  	s12 =	sadd.s32 $0x1180, s10  }
0x79: {  	[tilespmem:s22], [sflag:$0x8] =	stream.indirect.gather [hbm4b:s4+s18], $0x80, s12, s18, $0xb8;
	[tilespmem:$0x1B000] =	vst v63  }
0x7a: {  	_ =	swait.ge [sflag:s23], $0x4000  }
0x7b: {  	s13 =	rddreg [dreg:$0x4];
	[sflag:s23] =	ssyncset.done $0x0  }
0x7c: {  	p2 =	seq.s32 s6, $0x0;
	[sflag:s23] =	ssyncadd.s32 $0xFFFFC000;
	s7 =	sadd.s32 s5, s13  }
0x7d: {  	[hbm4b:s7+s3] =	stream.linear.scatter [tilespmem:s16], [sflag:$0x9], $0x4000, $0x38;
	[tilespmem:$0x1B000] =	vst v63  }
0x7e: {  	p0 =	por p2, p2;
	_ =	swait.ge [sflag:s24], $0x2400  }
0x7f: {  	p2 =	seq.s32 s9, $0x3800;
	s15 =	rddreg [dreg:$0x6];
	[sflag:s24] =	ssyncset.done $0x0  }
0x80: {  	[sflag:s24] =	ssyncadd.s32 $0xFFFFDC00;
	s0 =	sadd.s32 s5, s15;
	s15 =	simm.s32 @!p2 $0x9  }
0x81: {  	[hbm4b:s0+s3] =	stream.linear.scatter [tilespmem:s20], [sflag:$0x9], $0x2400, $0x38;
	[tilespmem:$0x1B000] =	vst v63  }
0x82: {  	s8 =	smov.u32 s6;
	_ =	swait.ge @!p2 [sflag:s15], $0x4000  }
0x83: {  	s1 =	sshra.s32 @!p2 s9, $0x2;
	s9 =	smov.u32 s8;
	[sflag:s15] =	ssyncset.done @!p2 $0x0  }
0x84: {  	s17 =	sadd.s32 @!p2 $0x200, s1;
	s19 =	sadd.s32 @!p2 $0x1200, s1;
	[sflag:s15] =	ssyncadd.s32 @!p2 $0xFFFFC000  }
0x85: {  	s10 =	sadd.s32 @!p2 $0x280, s1;
	s11 =	sadd.s32 @!p2 $0x1280, s1;
	_ =	swait.ge @!p2 [sflag:s15], $0x2400  }
0x86: {  	s8 =	sadd.s32 @!p2 $0x1300, s1;
	s12 =	simm.s32 @!p2 $0x2000;
	[sflag:s15] =	ssyncset.done @!p2 $0x0  }
0x87: {  	s0 =	sadd.s32 @!p2 $0x300, s1;
	s1 =	simm.s32 @!p2 $0x80;
	[sflag:s15] =	ssyncadd.s32 @!p2 $0xFFFFDC00  }
0x88: {  	[tilespmem:s12], [sflag:$0x1] =	stream.indirect.gather @!p2 [hbm4b:s4+s1], $0x80, s17, s1, $0xb8;
	[tilespmem:$0x1B000] =	vst v63  }
0x89: {  	s13 =	simm.s32 @!p2 $0x6000;
	s15 =	simm.s32 @!p2 $0x48  }
0x8a: {  	[tilespmem:s13], [sflag:$0x5] =	stream.indirect.gather @!p2 [hbm4b:s4+s15], $0x80, s19, s15, $0xb8;
	[tilespmem:$0x1B000] =	vst v63  }
0x8b: {  	_ =	swait.ge [sflag:s25], $0x4000  }
0x8c: {  	[sflag:s25] =	ssyncset.done $0x0  }
0x8d: {  	s17 =	sadd.s32 $0xC80, s7;
	s19 =	simm.s32 $0x8400;
	[sflag:s25] =	ssyncadd.s32 $0xFFFFC000  }
0x8e: {  	[hbm4b:s17+s3] =	stream.linear.scatter [tilespmem:s19], [sflag:$0xA], $0x4000, $0x38;
	[tilespmem:$0x1B000] =	vst v63  }
0x8f: {  	_ =	swait.ge [sflag:s26], $0x2400  }
0x90: {  	s13 =	simm.s32 @!p2 $0xA;
	s17 =	rddreg [dreg:$0x5];
	[sflag:s26] =	ssyncset.done $0x0  }
0x91: {  	s19 =	simm.s32 $0xC400;
	[sflag:s26] =	ssyncadd.s32 $0xFFFFDC00;
	s12 =	sadd.s32 s5, s17  }
0x92: {  	[hbm4b:s12+s3] =	stream.linear.scatter [tilespmem:s19], [sflag:$0xA], $0x2400, $0x38;
	[tilespmem:$0x1B000] =	vst v63  }
0x93: {  	_ =	swait.ge @!p2 [sflag:s13], $0x4000  }
0x94: {  	[sflag:s13] =	ssyncset.done @!p2 $0x0  }
0x95: {  	[sflag:s13] =	ssyncadd.s32 @!p2 $0xFFFFC000  }
0x96: {  	_ =	swait.ge @!p2 [sflag:s13], $0x2400  }
0x97: {  	[sflag:s13] =	ssyncset.done @!p2 $0x0  }
0x98: {  	s12 =	simm.s32 @!p2 $0x8400;
	[sflag:s13] =	ssyncadd.s32 @!p2 $0xFFFFDC00  }
0x99: {  	[tilespmem:s12], [sflag:$0x2] =	stream.indirect.gather @!p2 [hbm4b:s4+s1], $0x80, s10, s1, $0xb8;
	[tilespmem:$0x1B000] =	vst v63  }
0x9a: {  	s13 =	simm.s32 @!p2 $0xC400  }
0x9b: {  	[tilespmem:s13], [sflag:$0x6] =	stream.indirect.gather @!p2 [hbm4b:s4+s15], $0x80, s11, s15, $0xb8;
	[tilespmem:$0x1B000] =	vst v63  }
0x9c: {  	_ =	swait.ge [sflag:s28], $0x4000  }
0x9d: {  	[sflag:s28] =	ssyncset.done $0x0  }
0x9e: {  	s12 =	simm.s32 $0xE800;
	s11 =	sadd.s32 $0x1900, s7;
	[sflag:s28] =	ssyncadd.s32 $0xFFFFC000  }
0x9f: {  	[hbm4b:s11+s3] =	stream.linear.scatter [tilespmem:s12], [sflag:$0xB], $0x4000, $0x38;
	[tilespmem:$0x1B000] =	vst v63  }
0xa0: {  	_ =	swait.ge [sflag:s29], $0x2400  }
0xa1: {  	s17 =	simm.s32 $0x12800;
	s13 =	rddreg [dreg:$0x3];
	[sflag:s29] =	ssyncset.done $0x0  }
0xa2: {  	s11 =	simm.s32 @!p2 $0xB;
	[sflag:s29] =	ssyncadd.s32 $0xFFFFDC00;
	s10 =	sadd.s32 s5, s13  }
0xa3: {  	[hbm4b:s10+s3] =	stream.linear.scatter [tilespmem:s17], [sflag:$0xB], $0x2400, $0x38;
	[tilespmem:$0x1B000] =	vst v63  }
0xa4: {  	_ =	swait.ge @!p2 [sflag:s11], $0x4000  }
0xa5: {  	[sflag:s11] =	ssyncset.done @!p2 $0x0  }
0xa6: {  	[sflag:s11] =	ssyncadd.s32 @!p2 $0xFFFFC000  }
0xa7: {  	_ =	swait.ge @!p2 [sflag:s11], $0x2400  }
0xa8: {  	[sflag:s11] =	ssyncset.done @!p2 $0x0  }
0xa9: {  	s10 =	simm.s32 @!p2 $0xE800;
	[sflag:s11] =	ssyncadd.s32 @!p2 $0xFFFFDC00  }
0xaa: {  	[tilespmem:s10], [sflag:$0x3] =	stream.indirect.gather @!p2 [hbm4b:s4+s1], $0x80, s0, s1, $0xb8;
	[tilespmem:$0x1B000] =	vst v63  }
0xab: {  	s11 =	simm.s32 @!p2 $0x12800  }
0xac: {  	[tilespmem:s11], [sflag:$0x7] =	stream.indirect.gather @!p2 [hbm4b:s4+s15], $0x80, s8, s15, $0xb8;
	[tilespmem:$0x1B000] =	vst v63  }
0xad: {  	s6 =	sadd.s32 $0x800, s6;
	_ =	swait.ge [sflag:s30], $0x4000  }
0xae: {  	p1 =	sne.s32 s6, $0x4000;
	[sflag:s30] =	ssyncset.done $0x0  }
.Ltmp0:
0xaf: {  	s19 =	sadd.s32 $0x2580, s7;
	[sflag:s30] =	ssyncadd.s32 $0xFFFFC000;
	(pc) =	sbr.rel @p1 .LBB2_2-.Ltmp0, $4  }
0xb0: {  	[hbm4b:s19+s3] =	stream.linear.scatter [tilespmem:s21], [sflag:$0xC], $0x4000, $0x38;
	[tilespmem:$0x1B000] =	vst v63  }
0xb1: {  	_ =	swait.ge [sflag:s31], $0x2400  }
0xb2: {  	s2 =	smov.u32 s5;
	s5 =	sadd.s32 $0x3200, s5;
	[sflag:s31] =	ssyncset.done $0x0  }
0xb3: {  	s0 =	simm.s32 @!p0 $0xC;
	s1 =	rddreg [dreg:$0x7];
	[sflag:s31] =	ssyncadd.s32 $0xFFFFDC00  }
0xb4: {  	s1 =	sadd.s32 s2, s1  }
0xb5: {  	[hbm4b:s1+s3] =	stream.linear.scatter [tilespmem:s22], [sflag:$0xC], $0x2400, $0x38;
	[tilespmem:$0x1B000] =	vst v63  }
0xb6: {  	_ =	swait.ge @!p0 [sflag:s0], $0x4000  }
0xb7: {  	[sflag:s0] =	ssyncset.done @!p0 $0x0  }
0xb8: {  	[sflag:s0] =	ssyncadd.s32 @!p0 $0xFFFFC000  }
0xb9: {  	_ =	swait.ge @!p0 [sflag:s0], $0x2400  }
0xba: {  	s19 =	sshra.s32 s9, $0x2;
	[sflag:s0] =	ssyncset.done @!p0 $0x0  }
0xbb: {  	s2 =	sadd.s32 $0x180, s19;
	[sflag:s0] =	ssyncadd.s32 @!p0 $0xFFFFDC00  }
0xbc: {  	[tilespmem:s21], [sflag:$0x4] =	stream.indirect.gather [hbm4b:s4+s14], $0x80, s2, s14, $0xb8;
	[tilespmem:$0x1B000] =	vst v63  }
0xbd: {  	s6 =	sadd.s32 $0x1180, s19  }
0xbe: {  	[tilespmem:s22], [sflag:$0x8] =	stream.indirect.gather [hbm4b:s4+s18], $0x80, s6, s18, $0xb8;
	[tilespmem:$0x1B000] =	vst v63  }
0xbf: {  	_ =	swait.ge [sflag:s23], $0x4000  }
0xc0: {  	s7 =	rddreg [dreg:$0x4];
	[sflag:s23] =	ssyncset.done $0x0  }
0xc1: {  	[sflag:s23] =	ssyncadd.s32 $0xFFFFC000;
	s0 =	sadd.s32 s5, s7  }
0xc2: {  	[hbm4b:s0+s3] =	stream.linear.scatter [tilespmem:s16], [sflag:$0x9], $0x4000, $0x38;
	[tilespmem:$0x1B000] =	vst v63  }
0xc3: {  	_ =	swait.ge [sflag:s24], $0x2400  }
0xc4: {  	s8 =	rddreg [dreg:$0x6];
	[sflag:s24] =	ssyncset.done $0x0  }
0xc5: {  	p0 =	seq.s32 s9, $0x3800;
	[sflag:s24] =	ssyncadd.s32 $0xFFFFDC00;
	s1 =	sadd.s32 s5, s8  }
0xc6: {  	[hbm4b:s1+s3] =	stream.linear.scatter [tilespmem:s20], [sflag:$0x9], $0x2400, $0x38;
	[tilespmem:$0x1B000] =	vst v63  }
0xc7: {  	s1 =	simm.s32 @!p0 $0x9  }
0xc8: {  	_ =	swait.ge @!p0 [sflag:s1], $0x4000  }
0xc9: {  	[sflag:s1] =	ssyncset.done @!p0 $0x0  }
0xca: {  	[sflag:s1] =	ssyncadd.s32 @!p0 $0xFFFFC000  }
0xcb: {  	s2 =	sshra.s32 @!p0 s9, $0x2;
	_ =	swait.ge @!p0 [sflag:s1], $0x2400  }
0xcc: {  	s6 =	sadd.s32 @!p0 $0x200, s2;
	[sflag:s1] =	ssyncset.done @!p0 $0x0  }
0xcd: {  	s7 =	simm.s32 @!p0 $0x80;
	s8 =	simm.s32 @!p0 $0x2000;
	[sflag:s1] =	ssyncadd.s32 @!p0 $0xFFFFDC00  }
0xce: {  	[tilespmem:s8], [sflag:$0x1] =	stream.indirect.gather @!p0 [hbm4b:s4+s7], $0x80, s6, s7, $0xb8;
	[tilespmem:$0x1B000] =	vst v63  }
0xcf: {  	s1 =	sadd.s32 @!p0 $0x1200, s2;
	s6 =	simm.s32 @!p0 $0x48;
	s8 =	simm.s32 @!p0 $0x6000  }
0xd0: {  	[tilespmem:s8], [sflag:$0x5] =	stream.indirect.gather @!p0 [hbm4b:s4+s6], $0x80, s1, s6, $0xb8;
	[tilespmem:$0x1B000] =	vst v63  }
0xd1: {  	_ =	swait.ge [sflag:s25], $0x4000  }
0xd2: {  	[sflag:s25] =	ssyncset.done $0x0  }
0xd3: {  	s10 =	simm.s32 $0x8400;
	s9 =	sadd.s32 $0xC80, s0;
	[sflag:s25] =	ssyncadd.s32 $0xFFFFC000  }
0xd4: {  	[hbm4b:s9+s3] =	stream.linear.scatter [tilespmem:s10], [sflag:$0xA], $0x4000, $0x38;
	[tilespmem:$0x1B000] =	vst v63  }
0xd5: {  	_ =	swait.ge [sflag:s26], $0x2400  }
0xd6: {  	s12 =	simm.s32 $0xC400;
	s11 =	rddreg [dreg:$0x5];
	[sflag:s26] =	ssyncset.done $0x0  }
0xd7: {  	s8 =	simm.s32 @!p0 $0xA;
	[sflag:s26] =	ssyncadd.s32 $0xFFFFDC00;
	s1 =	sadd.s32 s5, s11  }
0xd8: {  	[hbm4b:s1+s3] =	stream.linear.scatter [tilespmem:s12], [sflag:$0xA], $0x2400, $0x38;
	[tilespmem:$0x1B000] =	vst v63  }
0xd9: {  	_ =	swait.ge @!p0 [sflag:s8], $0x4000  }
0xda: {  	[sflag:s8] =	ssyncset.done @!p0 $0x0  }
0xdb: {  	[sflag:s8] =	ssyncadd.s32 @!p0 $0xFFFFC000  }
0xdc: {  	_ =	swait.ge @!p0 [sflag:s8], $0x2400  }
0xdd: {  	[sflag:s8] =	ssyncset.done @!p0 $0x0  }
0xde: {  	s1 =	sadd.s32 @!p0 $0x280, s2;
	[sflag:s8] =	ssyncadd.s32 @!p0 $0xFFFFDC00;
	s8 =	simm.s32 @!p0 $0x8400  }
0xdf: {  	[tilespmem:s8], [sflag:$0x2] =	stream.indirect.gather @!p0 [hbm4b:s4+s7], $0x80, s1, s7, $0xb8;
	[tilespmem:$0x1B000] =	vst v63  }
0xe0: {  	s1 =	sadd.s32 @!p0 $0x1280, s2;
	s8 =	simm.s32 @!p0 $0xC400  }
0xe1: {  	[tilespmem:s8], [sflag:$0x6] =	stream.indirect.gather @!p0 [hbm4b:s4+s6], $0x80, s1, s6, $0xb8;
	[tilespmem:$0x1B000] =	vst v63  }
0xe2: {  	_ =	swait.ge [sflag:s28], $0x4000  }
0xe3: {  	[sflag:s28] =	ssyncset.done $0x0  }
0xe4: {  	s15 =	simm.s32 $0xE800;
	s13 =	sadd.s32 $0x1900, s0;
	[sflag:s28] =	ssyncadd.s32 $0xFFFFC000  }
0xe5: {  	[hbm4b:s13+s3] =	stream.linear.scatter [tilespmem:s15], [sflag:$0xB], $0x4000, $0x38;
	[tilespmem:$0x1B000] =	vst v63  }
0xe6: {  	_ =	swait.ge [sflag:s29], $0x2400  }
0xe7: {  	s19 =	simm.s32 $0x12800;
	s17 =	rddreg [dreg:$0x3];
	[sflag:s29] =	ssyncset.done $0x0  }
0xe8: {  	s8 =	simm.s32 @!p0 $0xB;
	[sflag:s29] =	ssyncadd.s32 $0xFFFFDC00;
	s1 =	sadd.s32 s5, s17  }
0xe9: {  	[hbm4b:s1+s3] =	stream.linear.scatter [tilespmem:s19], [sflag:$0xB], $0x2400, $0x38;
	[tilespmem:$0x1B000] =	vst v63  }
0xea: {  	_ =	swait.ge @!p0 [sflag:s8], $0x4000  }
0xeb: {  	[sflag:s8] =	ssyncset.done @!p0 $0x0  }
0xec: {  	[sflag:s8] =	ssyncadd.s32 @!p0 $0xFFFFC000  }
0xed: {  	_ =	swait.ge @!p0 [sflag:s8], $0x2400  }
0xee: {  	[sflag:s8] =	ssyncset.done @!p0 $0x0  }
0xef: {  	s1 =	sadd.s32 @!p0 $0x300, s2;
	[sflag:s8] =	ssyncadd.s32 @!p0 $0xFFFFDC00;
	s8 =	simm.s32 @!p0 $0xE800  }
0xf0: {  	[tilespmem:s8], [sflag:$0x3] =	stream.indirect.gather @!p0 [hbm4b:s4+s7], $0x80, s1, s7, $0xb8;
	[tilespmem:$0x1B000] =	vst v63  }
0xf1: {  	s1 =	sadd.s32 @!p0 $0x1300, s2;
	s2 =	simm.s32 @!p0 $0x12800  }
0xf2: {  	[tilespmem:s2], [sflag:$0x7] =	stream.indirect.gather @!p0 [hbm4b:s4+s6], $0x80, s1, s6, $0xb8;
	[tilespmem:$0x1B000] =	vst v63  }
0xf3: {  	_ =	swait.ge [sflag:s30], $0x4000  }
0xf4: {  	[sflag:s30] =	ssyncset.done $0x0  }
0xf5: {  	s0 =	sadd.s32 $0x2580, s0;
	[sflag:s30] =	ssyncadd.s32 $0xFFFFC000  }
0xf6: {  	[hbm4b:s0+s3] =	stream.linear.scatter [tilespmem:s21], [sflag:$0xC], $0x4000, $0x38;
	[tilespmem:$0x1B000] =	vst v63  }
0xf7: {  	_ =	swait.ge [sflag:s31], $0x2400  }
0xf8: {  	s10 =	rddreg [dreg:$0x7];
	[sflag:s31] =	ssyncset.done $0x0  }
0xf9: {  	s11 =	simm.s32 $0x9;
	s0 =	sadd.s32 s5, s10;
	[sflag:s31] =	ssyncadd.s32 $0xFFFFDC00  }
0xfa: {  	[hbm4b:s0+s3] =	stream.linear.scatter [tilespmem:s22], [sflag:$0xC], $0x2400, $0x38;
	[tilespmem:$0x1B000] =	vst v63  }
0xfb: {  	_ =	swait.ge [sflag:s11], $0x4000  }
0xfc: {  	[sflag:s11] =	ssyncset.done $0x0  }
0xfd: {  	[sflag:s11] =	ssyncadd.s32 $0xFFFFC000  }
0xfe: {  	_ =	swait.ge [sflag:s11], $0x2400  }
0xff: {  	[sflag:s11] =	ssyncset.done $0x0  }
0x100: {  	s12 =	simm.s32 $0xA;
	[sflag:s11] =	ssyncadd.s32 $0xFFFFDC00  }
0x101: {  	_ =	swait.ge [sflag:s12], $0x4000  }
0x102: {  	[sflag:s12] =	ssyncset.done $0x0  }
0x103: {  	[sflag:s12] =	ssyncadd.s32 $0xFFFFC000  }
0x104: {  	_ =	swait.ge [sflag:s12], $0x2400  }
0x105: {  	[sflag:s12] =	ssyncset.done $0x0  }
0x106: {  	s13 =	simm.s32 $0xB;
	[sflag:s12] =	ssyncadd.s32 $0xFFFFDC00  }
0x107: {  	_ =	swait.ge [sflag:s13], $0x4000  }
0x108: {  	[sflag:s13] =	ssyncset.done $0x0  }
0x109: {  	[sflag:s13] =	ssyncadd.s32 $0xFFFFC000  }
0x10a: {  	_ =	swait.ge [sflag:s13], $0x2400  }
0x10b: {  	[sflag:s13] =	ssyncset.done $0x0  }
0x10c: {  	s15 =	simm.s32 $0xC;
	[sflag:s13] =	ssyncadd.s32 $0xFFFFDC00  }
0x10d: {  	_ =	swait.ge [sflag:s15], $0x4000  }
0x10e: {  	[sflag:s15] =	ssyncset.done $0x0  }
0x10f: {  	[sflag:s15] =	ssyncadd.s32 $0xFFFFC000  }
0x110: {  	_ =	swait.ge [sflag:s15], $0x2400  }
0x111: {  	s17 =	rddreg [dreg:$0xb]  }
0x112: {  	s19 =	rddreg [dreg:$0xa];
	s2 =	sadd.s32 $0x1, s17  }
0x113: {  	p0 =	sne.s32 s2, s19  }
.Ltmp1:
0x114: {  	_ = 	snop;
	(pc) =	sbr.rel @p0 .LBB2_1-.Ltmp1, $3  }
0x115: {  	_ =	sdelay $0x1  }
0x116: {  	[sflag:s15] =	ssyncset.done $0x0  }
0x117: {  	[sflag:s15] =	ssyncadd.s32 $0xFFFFDC00  }
0x118: {  	_ =	sfence.sel $0x180000  }
0x119: {  	[bflag:$0x0] =	sbarrier.arrive $0xFFFF  }
0x11a: {  	_ =	strace $0x90000047  }
0x11b: {  	s0 =	stileid.u32;
	[bflag:$0x2] =	sbarrier.arrive $0xFFFF  }
0x11c: {  	p0 =	sne.s32 s0, $0x0;
	s0 =	rddreg [dreg:$0x2]  }
0x11d: {  	s0 =	sadd.s32 @!p0 $0x100000, s0  }
0x11e: {  	[sflag:s0] =	ssyncadd.tile.s32 @!p0 $0x1;
	_ =	shalt  }
.Lfunc_end2:
_tile_overlayer_lowered:
.L_overlay_start_2:
0x11f: {  	(tag) =	ssettag $0x2  }
0x120: {  	s0 =	rddreg [dreg:$0x0];
	s2 =	stileid.u32  }
0x121: {  	s1 =	rddreg [dreg:$0x1];
	p0 =	sne.s32 s2, $0x0  }
0x122: {  	s3 =	rddreg [dreg:$0x2];
	[bflag:$0x3] =	sbarrier.arrive $0xFFFF;
	s2 =	simm.s32 @!p0 $0x1C0D  }
0x123: {  	[timem:s3], [sflag:s2] =	dma.local @!p0 [hbm:s0], s1  }
0x124: {  	s0 =	simm.s32 @!p0 $0xD  }
0x125: {  	_ =	swait.ge @!p0 [sflag:s0], s1  }
0x126: {  	s1 =	ssub.s32 @!p0 $0x0, s1;
	[sflag:s0] =	ssyncset.done @!p0 $0x0  }
0x127: {  	[sflag:s0] =	ssyncadd.s32 @!p0 s1  }
0x128: {  	[bflag:$0x3] =	sbarrier.arrive $0xFFFF  }
0x129: {  	_ =	shalt  }

</sc_bundles>
